<compile_context>
chip_gen: v7x
topology: tpu7x:2x2x1
jax: 0.10.2.dev20260603
libtpu: 0.0.44.dev20260713+nightly
codegen_flags: <defaults>
</compile_context>

<pallas_src>
import functools

import jax
import jax.numpy as jnp
from jax import lax
from jax.experimental import pallas as pl
from jax.experimental.pallas import tpu as pltpu
from jax.experimental.pallas import tpu_sc as plsc

N_SP = 1024
NC = 2
NS = 16
LANES = 16
HROWS = 8
NBUF = 2


@functools.partial(jax.jit, static_argnums=(4, 5, 6, 7, 8))
def _superpixel_pool(x, labels, e0, e1, B, C, H, W, NE):
    NW = NC * NS
    WPI = NW // B
    CPB = C // WPI
    n_chunks = H // HROWS
    wgroups = W // LANES
    acc_len = CPB * N_SP

    mesh = plsc.VectorSubcoreMesh(
        core_axis_name="c", subcore_axis_name="s",
        num_cores=NC, num_subcores=NS)

    @functools.partial(
        pl.kernel,
        out_type=(
            jax.ShapeDtypeStruct((NW * CPB * NE,), jnp.float32),
            jax.ShapeDtypeStruct((NW * CPB * NE,), jnp.float32),
        ),
        mesh=mesh,
        compiler_params=pltpu.CompilerParams(needs_layout_passes=False),
        scratch_types=[
            pltpu.VMEM((NBUF, HROWS, W), jnp.int32),
            pltpu.VMEM((NBUF, CPB, HROWS, W), jnp.float32),
            pltpu.SemaphoreType.DMA((NBUF,)),
            [pltpu.VMEM((N_SP,), jnp.float32)] * CPB,
            pltpu.VMEM((N_SP,), jnp.float32),
            pltpu.VMEM((N_SP,), jnp.float32),
            pltpu.VMEM((1, NE), jnp.int32),
            pltpu.VMEM((1, NE), jnp.int32),
            pltpu.VMEM((CPB * NE,), jnp.float32),
            pltpu.VMEM((CPB * NE,), jnp.float32),
        ],
    )
    def sp_kernel(x_hbm, lbl_hbm, e0_hbm, e1_hbm, out0_hbm, out1_hbm,
                  lblbuf, xbuf, sem, accum, cnt, rcp, e0buf, e1buf, ob0, ob1):
        wid = lax.axis_index("s") * NC + lax.axis_index("c")
        b = wid // WPI
        cb = wid % WPI
        c0 = cb * CPB

        zeros = jnp.zeros((LANES,), jnp.float32)
        ones = jnp.ones((LANES,), jnp.float32)

        def zero_acc(i, _):
            for c in range(CPB):
                accum[c][pl.ds(i * LANES, LANES)] = zeros
            return 0
        lax.fori_loop(0, N_SP // LANES, zero_acc, 0)

        def zero_cnt(i, _):
            cnt[pl.ds(i * LANES, LANES)] = zeros
            return 0
        lax.fori_loop(0, N_SP // LANES, zero_cnt, 0)

        def copies(j, slot):
            h0 = j * HROWS
            return (
                pltpu.make_async_copy(
                    lbl_hbm.at[b, 0, pl.ds(h0, HROWS), :],
                    lblbuf.at[slot], sem.at[slot]),
                pltpu.make_async_copy(
                    x_hbm.at[b, pl.ds(c0, CPB), pl.ds(h0, HROWS), :],
                    xbuf.at[slot], sem.at[slot]),
            )

        def issue(j, slot):
            for cp in copies(j, slot):
                cp.start()

        def drain(j, slot):
            for cp in copies(j, slot):
                cp.wait()

        issue(0, 0)

        def chunk_body(j, _):
            slot = lax.rem(j, NBUF)

            @pl.when(j + 1 < n_chunks)
            def _():
                issue(j + 1, lax.rem(j + 1, NBUF))

            drain(j, slot)

            @plsc.parallel_loop(0, HROWS * wgroups, 1, unroll=1)
            def group_body(g):
                r = g // wgroups
                p = (g % wgroups) * LANES
                lbl = lblbuf[slot, r, pl.ds(p, LANES)]
                plsc.addupdate_scatter(cnt, [lbl], ones)
                for c in range(CPB):
                    v = xbuf[slot, c, r, pl.ds(p, LANES)]
                    plsc.addupdate_scatter(accum[c], [lbl], v)
            return 0
        lax.fori_loop(0, n_chunks, chunk_body, 0)

        def recip_body(i, _):
            s = pl.ds(i * LANES, LANES)
            rcp[s] = 1.0 / jnp.maximum(cnt[s], 1.0)
            return 0
        lax.fori_loop(0, N_SP // LANES, recip_body, 0)

        def mean_body(i, _):
            s = pl.ds(i * LANES, LANES)
            r = rcp[s]
            for c in range(CPB):
                accum[c][s] = accum[c][s] * r
            return 0
        lax.fori_loop(0, N_SP // LANES, mean_body, 0)

        pltpu.sync_copy(e0_hbm.at[b], e0buf)
        pltpu.sync_copy(e1_hbm.at[b], e1buf)
        for g in range(NE // LANES):
            p = g * LANES
            i0 = e0buf[0, pl.ds(p, LANES)]
            i1 = e1buf[0, pl.ds(p, LANES)]
            for c in range(CPB):
                ob0[pl.ds(c * NE + p, LANES)] = plsc.load_gather(
                    accum[c], [i0])
                ob1[pl.ds(c * NE + p, LANES)] = plsc.load_gather(
                    accum[c], [i1])
        pltpu.sync_copy(ob0, out0_hbm.at[pl.ds(wid * CPB * NE, CPB * NE)])
        pltpu.sync_copy(ob1, out1_hbm.at[pl.ds(wid * CPB * NE, CPB * NE)])

    return sp_kernel(x, labels, e0, e1)


def kernel(x, graphs, label_maps, edges_to_pool):
    B, C, H, W = x.shape
    NE = edges_to_pool.shape[1]
    e0 = edges_to_pool[:, :, 0].reshape(B, 1, NE)
    e1 = edges_to_pool[:, :, 1].reshape(B, 1, NE)
    out0, out1 = _superpixel_pool(x, label_maps, e0, e1, B, C, H, W, NE)
    NW = NC * NS
    WPI = NW // B
    CPB = C // WPI
    X0 = out0.reshape(B, WPI, CPB, NE).transpose(0, 3, 1, 2).reshape(B, NE, C)
    X1 = out1.reshape(B, WPI, CPB, NE).transpose(0, 3, 1, 2).reshape(B, NE, C)
    Y = edges_to_pool[:, :, 2].astype(x.dtype)[:, :, None]
    return X0, X1, Y

# --- scband reference (transcript-rebuilt; emitter-appended) ---
"""Pipeline reference for scband-superpixel-pooling-39058432590459 (READ-ONLY COPY).

The authoritative reference and input builder live on the scoring server;
editing this copy changes nothing except your own understanding.
"""

import jax, jax.numpy as jnp
import numpy as np

B, C, H, W = 4, 96, 512, 512
N_SP = 1024
N_SAMPLES = 64

def setup_inputs(seed: int = 0) -> dict:
    key = jax.random.key(seed)
    k1, k2, k3 = jax.random.split(key, 3)
    x = jax.random.normal(k1, (B, C, H, W), dtype=jnp.float32)
    graphs = jnp.zeros((B,), dtype=jnp.float32)  # placeholder; unused when edges_to_pool is provided
    label_maps = jax.random.randint(k2, (B, 1, H, W), 0, N_SP, dtype=jnp.int32)
    edges_to_pool = jax.random.randint(k3, (B, N_SAMPLES, 3), 0, N_SP, dtype=jnp.int32)
    return {"x": x, "graphs": graphs, "label_maps": label_maps, "edges_to_pool": edges_to_pool}

def reference(x, graphs, label_maps, edges_to_pool):
    # SuperpixelPooling with use_max=False and edges_to_pool given:
    # for each edge (a, b, w): pool = mean of x[i, :, label_maps[i,0]==a] over pixels.
    # Equivalent: per-superpixel mean via segment_sum, then gather edge endpoints.
    B_, C_, H_, W_ = x.shape
    xf = x.reshape(B_, C_, H_ * W_)              # [B, C, HW]
    labels = label_maps[:, 0].reshape(B_, -1)     # [B, HW]

    def per_image(xi, li, ei):
        # xi: [C, HW], li: [HW], ei: [N_SAMPLES, 3]
        sums = jax.ops.segment_sum(xi.T, li, num_segments=N_SP)  # [N_SP, C]
        counts = jax.ops.segment_sum(jnp.ones_like(li, dtype=xi.dtype), li, num_segments=N_SP)
        means = sums / jnp.maximum(counts, 1.0)[:, None]          # [N_SP, C]
        x0 = jnp.take(means, ei[:, 0], axis=0)                    # [N_SAMPLES, C]
        x1 = jnp.take(means, ei[:, 1], axis=0)                    # [N_SAMPLES, C]
        y = ei[:, 2].astype(xi.dtype)[:, None]                    # [N_SAMPLES, 1]
        return x0, x1, y

    X0, X1, Y = jax.vmap(per_image)(xf, labels, edges_to_pool)
    return X0, X1, Y

if __name__ == "__main__":
    import jax
    _d = setup_inputs()
    print(jax.jit(kernel)(*tuple(_d.values())))

</pallas_src>

<mosaic_0001>
#map = affine_map<(d0, d1) -> (0, 0, 0, 0)>
#map1 = affine_map<(d0, d1) -> (0, 0, 0)>
#map2 = affine_map<(d0, d1) -> (0)>
module attributes {stable_mosaic.version = 14 : i64} {
  func.func @sp_kernel(%arg0: i32, %arg1: i32, %arg2: memref<4x96x512x512xf32, #tpu.memory_space<hbm>>, %arg3: memref<4x1x512x512xi32, #tpu.memory_space<hbm>>, %arg4: memref<4x1x64xi32, #tpu.memory_space<hbm>>, %arg5: memref<4x1x64xi32, #tpu.memory_space<hbm>>, %arg6: memref<24576xf32, #tpu.memory_space<hbm>>, %arg7: memref<24576xf32, #tpu.memory_space<hbm>>, %arg8: memref<2x8x512xi32, #tpu.memory_space<vmem>>, %arg9: memref<2x12x8x512xf32, #tpu.memory_space<vmem>>, %arg10: memref<2x!tpu.dma_semaphore, #tpu.memory_space<semaphore_mem>>, %arg11: memref<1024xf32, #tpu.memory_space<vmem>>, %arg12: memref<1024xf32, #tpu.memory_space<vmem>>, %arg13: memref<1024xf32, #tpu.memory_space<vmem>>, %arg14: memref<1024xf32, #tpu.memory_space<vmem>>, %arg15: memref<1024xf32, #tpu.memory_space<vmem>>, %arg16: memref<1024xf32, #tpu.memory_space<vmem>>, %arg17: memref<1024xf32, #tpu.memory_space<vmem>>, %arg18: memref<1024xf32, #tpu.memory_space<vmem>>, %arg19: memref<1024xf32, #tpu.memory_space<vmem>>, %arg20: memref<1024xf32, #tpu.memory_space<vmem>>, %arg21: memref<1024xf32, #tpu.memory_space<vmem>>, %arg22: memref<1024xf32, #tpu.memory_space<vmem>>, %arg23: memref<1024xf32, #tpu.memory_space<vmem>>, %arg24: memref<1024xf32, #tpu.memory_space<vmem>>, %arg25: memref<1x64xi32, #tpu.memory_space<vmem>>, %arg26: memref<1x64xi32, #tpu.memory_space<vmem>>, %arg27: memref<768xf32, #tpu.memory_space<vmem>>, %arg28: memref<768xf32, #tpu.memory_space<vmem>>) attributes {dimension_semantics = [#tpu.dimension_semantics<core_parallel>, #tpu.dimension_semantics<subcore_parallel>], iteration_bounds = array<i64: 2, 16>, scalar_prefetch = 0 : i64, scratch_operands = 21 : i64, tpu.core_type = #tpu.core_type<sc_vector_subcore>, window_params = [{transform_indices = #map}, {transform_indices = #map}, {transform_indices = #map1}, {transform_indices = #map1}, {transform_indices = #map2}, {transform_indices = #map2}]} {
    %mul3A = arith.constant 2 : i32
    %mul3A_0 = arith.muli %arg1, %mul3A : i32
    %add3A = arith.addi %mul3A_0, %arg0 : i32
    %jit3A = arith.constant 8 : i32
    %div3A = arith.divsi %add3A, %jit3A : i32
    %sign3A = arith.constant 0 : i32
    %sign3A_1 = arith.cmpi sgt, %add3A, %sign3A : i32
    %sign3A_2 = arith.extui %sign3A_1 : i1 to i32
    %sign3A_3 = arith.constant 0 : i32
    %sign3A_4 = arith.cmpi slt, %add3A, %sign3A_3 : i32
    %sign3A_5 = arith.extui %sign3A_4 : i1 to i32
    %sign3A_6 = arith.subi %sign3A_2, %sign3A_5 : i32
    %sign3A_7 = arith.constant 0 : i32
    %sign3A_8 = arith.cmpi sgt, %jit3A, %sign3A_7 : i32
    %sign3A_9 = arith.extui %sign3A_8 : i1 to i32
    %sign3A_10 = arith.constant 0 : i32
    %sign3A_11 = arith.cmpi slt, %jit3A, %sign3A_10 : i32
    %sign3A_12 = arith.extui %sign3A_11 : i1 to i32
    %sign3A_13 = arith.subi %sign3A_9, %sign3A_12 : i32
    %ne3A = arith.cmpi ne, %sign3A_6, %sign3A_13 : i32
    %rem3A = arith.remsi %add3A, %jit3A : i32
    %ne3A_14 = arith.constant 0 : i32
    %ne3A_15 = arith.cmpi ne, %rem3A, %ne3A_14 : i32
    %and3A = arith.andi %ne3A, %ne3A_15 : i1
    %sub3A = arith.constant 1 : i32
    %sub3A_16 = arith.subi %div3A, %sub3A : i32
    %select_n3A = arith.select %and3A, %sub3A_16, %div3A : i32
    %jit3A_17 = arith.constant 8 : i32
    %eq3A = arith.constant 0 : i32
    %eq3A_18 = arith.cmpi eq, %jit3A_17, %eq3A : i32
    %jit3A_19 = arith.constant 1 : i32
    %select_n3A_20 = arith.select %eq3A_18, %jit3A_19, %jit3A_17 : i32
    %rem3A_21 = arith.remsi %add3A, %select_n3A_20 : i32
    %ne3A_22 = arith.constant 0 : i32
    %ne3A_23 = arith.cmpi ne, %rem3A_21, %ne3A_22 : i32
    %lt3A = arith.constant 0 : i32
    %lt3A_24 = arith.cmpi slt, %rem3A_21, %lt3A : i32
    %lt3A_25 = arith.constant 0 : i32
    %lt3A_26 = arith.cmpi slt, %select_n3A_20, %lt3A_25 : i32
    %ne3A_27 = arith.xori %lt3A_24, %lt3A_26 : i1
    %and3A_28 = arith.andi %ne3A_27, %ne3A_23 : i1
    %add3A_29 = arith.addi %rem3A_21, %select_n3A_20 : i32
    %select_n3A_30 = arith.select %and3A_28, %add3A_29, %rem3A_21 : i32
    %mul3A_31 = arith.constant 12 : i32
    %mul3A_32 = arith.muli %select_n3A_30, %mul3A_31 : i32
    %broadcast_in_dim3A = arith.constant 0.000000e+00 : f32
    %broadcast_in_dim3A_33 = vector.broadcast %broadcast_in_dim3A : f32 to vector<16xf32>
    %broadcast_in_dim3A_34 = arith.constant 1.000000e+00 : f32
    %broadcast_in_dim3A_35 = vector.broadcast %broadcast_in_dim3A_34 : f32 to vector<16xf32>
    %scan3A = arith.constant 0 : i32
    %scan3A_36 = arith.constant 0 : i32
    %scan3A_37 = arith.constant 64 : i32
    %scan3A_38 = arith.addi %scan3A_36, %scan3A_37 : i32
    %scan3A_39 = arith.constant 1 : i32
    %scan3A_40 = scf.for %scan3A_437 = %scan3A_36 to %scan3A_38 step %scan3A_39 iter_args(%scan3A_438 = %scan3A) -> (i32)  : i32 {
      %mul3A_439 = arith.constant 16 : i32
      %mul3A_440 = arith.muli %scan3A_437, %mul3A_439 : i32
      %swap3A_441 = arith.index_cast %mul3A_440 : i32 to index
      %swap3A_442 = tpu.vector_load %arg11[%swap3A_441] {strides = array<i32>} : memref<1024xf32, #tpu.memory_space<vmem>>, vector<16xf32>,
      tpu.vector_store %arg11[%swap3A_441], %broadcast_in_dim3A_33 {strides = array<i32>} : memref<1024xf32, #tpu.memory_space<vmem>>, vector<16xf32>,
      %mul3A_443 = arith.constant 16 : i32
      %mul3A_444 = arith.muli %scan3A_437, %mul3A_443 : i32
      %swap3A_445 = arith.index_cast %mul3A_444 : i32 to index
      %swap3A_446 = tpu.vector_load %arg12[%swap3A_445] {strides = array<i32>} : memref<1024xf32, #tpu.memory_space<vmem>>, vector<16xf32>,
      tpu.vector_store %arg12[%swap3A_445], %broadcast_in_dim3A_33 {strides = array<i32>} : memref<1024xf32, #tpu.memory_space<vmem>>, vector<16xf32>,
      %mul3A_447 = arith.constant 16 : i32
      %mul3A_448 = arith.muli %scan3A_437, %mul3A_447 : i32
      %swap3A_449 = arith.index_cast %mul3A_448 : i32 to index
      %swap3A_450 = tpu.vector_load %arg13[%swap3A_449] {strides = array<i32>} : memref<1024xf32, #tpu.memory_space<vmem>>, vector<16xf32>,
      tpu.vector_store %arg13[%swap3A_449], %broadcast_in_dim3A_33 {strides = array<i32>} : memref<1024xf32, #tpu.memory_space<vmem>>, vector<16xf32>,
      %mul3A_451 = arith.constant 16 : i32
      %mul3A_452 = arith.muli %scan3A_437, %mul3A_451 : i32
      %swap3A_453 = arith.index_cast %mul3A_452 : i32 to index
      %swap3A_454 = tpu.vector_load %arg14[%swap3A_453] {strides = array<i32>} : memref<1024xf32, #tpu.memory_space<vmem>>, vector<16xf32>,
      tpu.vector_store %arg14[%swap3A_453], %broadcast_in_dim3A_33 {strides = array<i32>} : memref<1024xf32, #tpu.memory_space<vmem>>, vector<16xf32>,
      %mul3A_455 = arith.constant 16 : i32
      %mul3A_456 = arith.muli %scan3A_437, %mul3A_455 : i32
      %swap3A_457 = arith.index_cast %mul3A_456 : i32 to index
      %swap3A_458 = tpu.vector_load %arg15[%swap3A_457] {strides = array<i32>} : memref<1024xf32, #tpu.memory_space<vmem>>, vector<16xf32>,
      tpu.vector_store %arg15[%swap3A_457], %broadcast_in_dim3A_33 {strides = array<i32>} : memref<1024xf32, #tpu.memory_space<vmem>>, vector<16xf32>,
      %mul3A_459 = arith.constant 16 : i32
      %mul3A_460 = arith.muli %scan3A_437, %mul3A_459 : i32
      %swap3A_461 = arith.index_cast %mul3A_460 : i32 to index
      %swap3A_462 = tpu.vector_load %arg16[%swap3A_461] {strides = array<i32>} : memref<1024xf32, #tpu.memory_space<vmem>>, vector<16xf32>,
      tpu.vector_store %arg16[%swap3A_461], %broadcast_in_dim3A_33 {strides = array<i32>} : memref<1024xf32, #tpu.memory_space<vmem>>, vector<16xf32>,
      %mul3A_463 = arith.constant 16 : i32
      %mul3A_464 = arith.muli %scan3A_437, %mul3A_463 : i32
      %swap3A_465 = arith.index_cast %mul3A_464 : i32 to index
      %swap3A_466 = tpu.vector_load %arg17[%swap3A_465] {strides = array<i32>} : memref<1024xf32, #tpu.memory_space<vmem>>, vector<16xf32>,
      tpu.vector_store %arg17[%swap3A_465], %broadcast_in_dim3A_33 {strides = array<i32>} : memref<1024xf32, #tpu.memory_space<vmem>>, vector<16xf32>,
      %mul3A_467 = arith.constant 16 : i32
      %mul3A_468 = arith.muli %scan3A_437, %mul3A_467 : i32
      %swap3A_469 = arith.index_cast %mul3A_468 : i32 to index
      %swap3A_470 = tpu.vector_load %arg18[%swap3A_469] {strides = array<i32>} : memref<1024xf32, #tpu.memory_space<vmem>>, vector<16xf32>,
      tpu.vector_store %arg18[%swap3A_469], %broadcast_in_dim3A_33 {strides = array<i32>} : memref<1024xf32, #tpu.memory_space<vmem>>, vector<16xf32>,
      %mul3A_471 = arith.constant 16 : i32
      %mul3A_472 = arith.muli %scan3A_437, %mul3A_471 : i32
      %swap3A_473 = arith.index_cast %mul3A_472 : i32 to index
      %swap3A_474 = tpu.vector_load %arg19[%swap3A_473] {strides = array<i32>} : memref<1024xf32, #tpu.memory_space<vmem>>, vector<16xf32>,
      tpu.vector_store %arg19[%swap3A_473], %broadcast_in_dim3A_33 {strides = array<i32>} : memref<1024xf32, #tpu.memory_space<vmem>>, vector<16xf32>,
      %mul3A_475 = arith.constant 16 : i32
      %mul3A_476 = arith.muli %scan3A_437, %mul3A_475 : i32
      %swap3A_477 = arith.index_cast %mul3A_476 : i32 to index
      %swap3A_478 = tpu.vector_load %arg20[%swap3A_477] {strides = array<i32>} : memref<1024xf32, #tpu.memory_space<vmem>>, vector<16xf32>,
      tpu.vector_store %arg20[%swap3A_477], %broadcast_in_dim3A_33 {strides = array<i32>} : memref<1024xf32, #tpu.memory_space<vmem>>, vector<16xf32>,
      %mul3A_479 = arith.constant 16 : i32
      %mul3A_480 = arith.muli %scan3A_437, %mul3A_479 : i32
      %swap3A_481 = arith.index_cast %mul3A_480 : i32 to index
      %swap3A_482 = tpu.vector_load %arg21[%swap3A_481] {strides = array<i32>} : memref<1024xf32, #tpu.memory_space<vmem>>, vector<16xf32>,
      tpu.vector_store %arg21[%swap3A_481], %broadcast_in_dim3A_33 {strides = array<i32>} : memref<1024xf32, #tpu.memory_space<vmem>>, vector<16xf32>,
      %mul3A_483 = arith.constant 16 : i32
      %mul3A_484 = arith.muli %scan3A_437, %mul3A_483 : i32
      %swap3A_485 = arith.index_cast %mul3A_484 : i32 to index
      %swap3A_486 = tpu.vector_load %arg22[%swap3A_485] {strides = array<i32>} : memref<1024xf32, #tpu.memory_space<vmem>>, vector<16xf32>,
      tpu.vector_store %arg22[%swap3A_485], %broadcast_in_dim3A_33 {strides = array<i32>} : memref<1024xf32, #tpu.memory_space<vmem>>, vector<16xf32>,
      %scan3A_487 = arith.constant 0 : i32
      scf.yield %scan3A_487 : i32
    }
    %scan3A_41 = arith.constant 64 : i32
    %scan3A_42 = arith.constant 0 : i32
    %scan3A_43 = arith.constant 0 : i32
    %scan3A_44 = arith.constant 64 : i32
    %scan3A_45 = arith.addi %scan3A_43, %scan3A_44 : i32
    %scan3A_46 = arith.constant 1 : i32
    %scan3A_47 = scf.for %scan3A_437 = %scan3A_43 to %scan3A_45 step %scan3A_46 iter_args(%scan3A_438 = %scan3A_42) -> (i32)  : i32 {
      %mul3A_439 = arith.constant 16 : i32
      %mul3A_440 = arith.muli %scan3A_437, %mul3A_439 : i32
      %swap3A_441 = arith.index_cast %mul3A_440 : i32 to index
      %swap3A_442 = tpu.vector_load %arg23[%swap3A_441] {strides = array<i32>} : memref<1024xf32, #tpu.memory_space<vmem>>, vector<16xf32>,
      tpu.vector_store %arg23[%swap3A_441], %broadcast_in_dim3A_33 {strides = array<i32>} : memref<1024xf32, #tpu.memory_space<vmem>>, vector<16xf32>,
      %scan3A_443 = arith.constant 0 : i32
      scf.yield %scan3A_443 : i32
    }
    %scan3A_48 = arith.constant 64 : i32
    %dma_start3A = arith.constant 0 : i32
    %dma_start3A_49 = arith.constant 0 : i32
    %dma_start3A_50 = arith.constant 0 : i32
    %dma_start3A_51 = arith.constant 0 : i32
    %dma_start3A_52 = arith.constant 0 : i32
    %dma_start3A_53 = tpu.memref_slice %arg8[%dma_start3A_49, %dma_start3A_51, %dma_start3A_52] : memref<2x8x512xi32, #tpu.memory_space<vmem>> -> memref<1x8x512xi32, #tpu.memory_space<vmem>>
    %dma_start3A_54 = tpu.memref_squeeze %dma_start3A_53 : memref<1x8x512xi32, #tpu.memory_space<vmem>> -> memref<8x512xi32, #tpu.memory_space<vmem>>
    %dma_start3A_55 = arith.constant 0 : i32
    %dma_start3A_56 = arith.constant 0 : i32
    %dma_start3A_57 = tpu.memref_slice %arg3[%select_n3A, %dma_start3A, %dma_start3A_55, %dma_start3A_56] : memref<4x1x512x512xi32, #tpu.memory_space<hbm>> -> memref<1x1x8x512xi32, #tpu.memory_space<hbm>>
    %dma_start3A_58 = tpu.memref_squeeze %dma_start3A_57 : memref<1x1x8x512xi32, #tpu.memory_space<hbm>> -> memref<8x512xi32, #tpu.memory_space<hbm>>
    %dma_start3A_59 = tpu.memref_slice %arg10[%dma_start3A_50] : memref<2x!tpu.dma_semaphore, #tpu.memory_space<semaphore_mem>> -> memref<1x!tpu.dma_semaphore, #tpu.memory_space<semaphore_mem>>
    %dma_start3A_60 = tpu.memref_squeeze %dma_start3A_59 : memref<1x!tpu.dma_semaphore, #tpu.memory_space<semaphore_mem>> -> memref<!tpu.dma_semaphore, #tpu.memory_space<semaphore_mem>>
    %dma_start3A_61 = arith.constant 0 : i32
    %dma_start3A_62 = arith.constant 0 : i32
    %dma_start3A_63 = tpu.memref_slice %arg8[%dma_start3A_49, %dma_start3A_61, %dma_start3A_62] : memref<2x8x512xi32, #tpu.memory_space<vmem>> -> memref<1x8x512xi32, #tpu.memory_space<vmem>>
    %dma_start3A_64 = tpu.memref_squeeze %dma_start3A_63 : memref<1x8x512xi32, #tpu.memory_space<vmem>> -> memref<8x512xi32, #tpu.memory_space<vmem>>
    %dma_start3A_65 = arith.constant 0 : i32
    %dma_start3A_66 = arith.constant 0 : i32
    %dma_start3A_67 = tpu.memref_slice %arg3[%select_n3A, %dma_start3A, %dma_start3A_65, %dma_start3A_66] : memref<4x1x512x512xi32, #tpu.memory_space<hbm>> -> memref<1x1x8x512xi32, #tpu.memory_space<hbm>>
    %dma_start3A_68 = tpu.memref_squeeze %dma_start3A_67 : memref<1x1x8x512xi32, #tpu.memory_space<hbm>> -> memref<8x512xi32, #tpu.memory_space<hbm>>
    tpu.enqueue_dma source(%dma_start3A_68 : memref<8x512xi32, #tpu.memory_space<hbm>>) target(%dma_start3A_64 : memref<8x512xi32, #tpu.memory_space<vmem>>) target_semaphore(%dma_start3A_60 : memref<!tpu.dma_semaphore, #tpu.memory_space<semaphore_mem>>)
    %dma_start3A_69 = arith.constant 0 : i32
    %dma_start3A_70 = arith.constant 0 : i32
    %dma_start3A_71 = arith.constant 0 : i32
    %dma_start3A_72 = arith.constant 0 : i32
    %dma_start3A_73 = arith.constant 0 : i32
    %dma_start3A_74 = tpu.memref_slice %arg9[%dma_start3A_69, %dma_start3A_71, %dma_start3A_72, %dma_start3A_73] : memref<2x12x8x512xf32, #tpu.memory_space<vmem>> -> memref<1x12x8x512xf32, #tpu.memory_space<vmem>>
    %dma_start3A_75 = tpu.memref_squeeze %dma_start3A_74 : memref<1x12x8x512xf32, #tpu.memory_space<vmem>> -> memref<12x8x512xf32, #tpu.memory_space<vmem>>
    %dma_start3A_76 = arith.constant 0 : i32
    %dma_start3A_77 = arith.constant 0 : i32
    %dma_start3A_78 = tpu.memref_slice %arg2[%select_n3A, %mul3A_32, %dma_start3A_76, %dma_start3A_77] : memref<4x96x512x512xf32, #tpu.memory_space<hbm>> -> memref<1x12x8x512xf32, #tpu.memory_space<hbm>>
    %dma_start3A_79 = tpu.memref_squeeze %dma_start3A_78 : memref<1x12x8x512xf32, #tpu.memory_space<hbm>> -> memref<12x8x512xf32, #tpu.memory_space<hbm>>
    %dma_start3A_80 = tpu.memref_slice %arg10[%dma_start3A_70] : memref<2x!tpu.dma_semaphore, #tpu.memory_space<semaphore_mem>> -> memref<1x!tpu.dma_semaphore, #tpu.memory_space<semaphore_mem>>
    %dma_start3A_81 = tpu.memref_squeeze %dma_start3A_80 : memref<1x!tpu.dma_semaphore, #tpu.memory_space<semaphore_mem>> -> memref<!tpu.dma_semaphore, #tpu.memory_space<semaphore_mem>>
    %dma_start3A_82 = arith.constant 0 : i32
    %dma_start3A_83 = arith.constant 0 : i32
    %dma_start3A_84 = arith.constant 0 : i32
    %dma_start3A_85 = tpu.memref_slice %arg9[%dma_start3A_69, %dma_start3A_82, %dma_start3A_83, %dma_start3A_84] : memref<2x12x8x512xf32, #tpu.memory_space<vmem>> -> memref<1x12x8x512xf32, #tpu.memory_space<vmem>>
    %dma_start3A_86 = tpu.memref_squeeze %dma_start3A_85 : memref<1x12x8x512xf32, #tpu.memory_space<vmem>> -> memref<12x8x512xf32, #tpu.memory_space<vmem>>
    %dma_start3A_87 = arith.constant 0 : i32
    %dma_start3A_88 = arith.constant 0 : i32
    %dma_start3A_89 = tpu.memref_slice %arg2[%select_n3A, %mul3A_32, %dma_start3A_87, %dma_start3A_88] : memref<4x96x512x512xf32, #tpu.memory_space<hbm>> -> memref<1x12x8x512xf32, #tpu.memory_space<hbm>>
    %dma_start3A_90 = tpu.memref_squeeze %dma_start3A_89 : memref<1x12x8x512xf32, #tpu.memory_space<hbm>> -> memref<12x8x512xf32, #tpu.memory_space<hbm>>
    tpu.enqueue_dma source(%dma_start3A_90 : memref<12x8x512xf32, #tpu.memory_space<hbm>>) target(%dma_start3A_86 : memref<12x8x512xf32, #tpu.memory_space<vmem>>) target_semaphore(%dma_start3A_81 : memref<!tpu.dma_semaphore, #tpu.memory_space<semaphore_mem>>)
    %scan3A_91 = arith.constant 0 : i32
    %scan3A_92 = arith.constant 0 : i32
    %scan3A_93 = arith.constant 64 : i32
    %scan3A_94 = arith.addi %scan3A_92, %scan3A_93 : i32
    %scan3A_95 = arith.constant 1 : i32
    %scan3A_96 = scf.for %scan3A_437 = %scan3A_92 to %scan3A_94 step %scan3A_95 iter_args(%scan3A_438 = %scan3A_91) -> (i32)  : i32 {
      %rem3A_439 = arith.constant 2 : i32
      %rem3A_440 = arith.remsi %scan3A_437, %rem3A_439 : i32
      %add3A_441 = arith.constant 1 : i32
      %add3A_442 = arith.addi %scan3A_437, %add3A_441 : i32
      %lt3A_443 = arith.constant 64 : i32
      %lt3A_444 = arith.cmpi slt, %add3A_442, %lt3A_443 : i32
      %convert_element_type3A = arith.extui %lt3A_444 : i1 to i32
      %cond3A = arith.constant 0 : i32
      %cond3A_445 = arith.cmpi ne, %convert_element_type3A, %cond3A : i32
      scf.if %cond3A_445 {
        %add3A_485 = arith.constant 1 : i32
        %add3A_486 = arith.addi %scan3A_437, %add3A_485 : i32
        %add3A_487 = arith.constant 1 : i32
        %add3A_488 = arith.addi %scan3A_437, %add3A_487 : i32
        %rem3A_489 = arith.constant 2 : i32
        %rem3A_490 = arith.remsi %add3A_488, %rem3A_489 : i32
        %mul3A_491 = arith.constant 8 : i32
        %mul3A_492 = arith.muli %add3A_486, %mul3A_491 : i32
        %dma_start3A_493 = arith.constant 0 : i32
        %dma_start3A_494 = arith.constant 0 : i32
        %dma_start3A_495 = arith.constant 0 : i32
        %dma_start3A_496 = tpu.memref_slice %arg8[%rem3A_490, %dma_start3A_494, %dma_start3A_495] : memref<2x8x512xi32, #tpu.memory_space<vmem>> -> memref<1x8x512xi32, #tpu.memory_space<vmem>>
        %dma_start3A_497 = tpu.memref_squeeze %dma_start3A_496 : memref<1x8x512xi32, #tpu.memory_space<vmem>> -> memref<8x512xi32, #tpu.memory_space<vmem>>
        %dma_start3A_498 = arith.constant 0 : i32
        %dma_start3A_499 = tpu.memref_slice %arg3[%select_n3A, %dma_start3A_493, %mul3A_492, %dma_start3A_498] : memref<4x1x512x512xi32, #tpu.memory_space<hbm>> -> memref<1x1x8x512xi32, #tpu.memory_space<hbm>>
        %dma_start3A_500 = tpu.memref_squeeze %dma_start3A_499 : memref<1x1x8x512xi32, #tpu.memory_space<hbm>> -> memref<8x512xi32, #tpu.memory_space<hbm>>
        %dma_start3A_501 = tpu.memref_slice %arg10[%rem3A_490] : memref<2x!tpu.dma_semaphore, #tpu.memory_space<semaphore_mem>> -> memref<1x!tpu.dma_semaphore, #tpu.memory_space<semaphore_mem>>
        %dma_start3A_502 = tpu.memref_squeeze %dma_start3A_501 : memref<1x!tpu.dma_semaphore, #tpu.memory_space<semaphore_mem>> -> memref<!tpu.dma_semaphore, #tpu.memory_space<semaphore_mem>>
        %dma_start3A_503 = arith.constant 0 : i32
        %dma_start3A_504 = arith.constant 0 : i32
        %dma_start3A_505 = tpu.memref_slice %arg8[%rem3A_490, %dma_start3A_503, %dma_start3A_504] : memref<2x8x512xi32, #tpu.memory_space<vmem>> -> memref<1x8x512xi32, #tpu.memory_space<vmem>>
        %dma_start3A_506 = tpu.memref_squeeze %dma_start3A_505 : memref<1x8x512xi32, #tpu.memory_space<vmem>> -> memref<8x512xi32, #tpu.memory_space<vmem>>
        %dma_start3A_507 = arith.constant 0 : i32
        %dma_start3A_508 = tpu.memref_slice %arg3[%select_n3A, %dma_start3A_493, %mul3A_492, %dma_start3A_507] : memref<4x1x512x512xi32, #tpu.memory_space<hbm>> -> memref<1x1x8x512xi32, #tpu.memory_space<hbm>>
        %dma_start3A_509 = tpu.memref_squeeze %dma_start3A_508 : memref<1x1x8x512xi32, #tpu.memory_space<hbm>> -> memref<8x512xi32, #tpu.memory_space<hbm>>
        tpu.enqueue_dma source(%dma_start3A_509 : memref<8x512xi32, #tpu.memory_space<hbm>>) target(%dma_start3A_506 : memref<8x512xi32, #tpu.memory_space<vmem>>) target_semaphore(%dma_start3A_502 : memref<!tpu.dma_semaphore, #tpu.memory_space<semaphore_mem>>)
        %dma_start3A_510 = arith.constant 0 : i32
        %dma_start3A_511 = arith.constant 0 : i32
        %dma_start3A_512 = arith.constant 0 : i32
        %dma_start3A_513 = tpu.memref_slice %arg9[%rem3A_490, %dma_start3A_510, %dma_start3A_511, %dma_start3A_512] : memref<2x12x8x512xf32, #tpu.memory_space<vmem>> -> memref<1x12x8x512xf32, #tpu.memory_space<vmem>>
        %dma_start3A_514 = tpu.memref_squeeze %dma_start3A_513 : memref<1x12x8x512xf32, #tpu.memory_space<vmem>> -> memref<12x8x512xf32, #tpu.memory_space<vmem>>
        %dma_start3A_515 = arith.constant 0 : i32
        %dma_start3A_516 = tpu.memref_slice %arg2[%select_n3A, %mul3A_32, %mul3A_492, %dma_start3A_515] : memref<4x96x512x512xf32, #tpu.memory_space<hbm>> -> memref<1x12x8x512xf32, #tpu.memory_space<hbm>>
        %dma_start3A_517 = tpu.memref_squeeze %dma_start3A_516 : memref<1x12x8x512xf32, #tpu.memory_space<hbm>> -> memref<12x8x512xf32, #tpu.memory_space<hbm>>
        %dma_start3A_518 = tpu.memref_slice %arg10[%rem3A_490] : memref<2x!tpu.dma_semaphore, #tpu.memory_space<semaphore_mem>> -> memref<1x!tpu.dma_semaphore, #tpu.memory_space<semaphore_mem>>
        %dma_start3A_519 = tpu.memref_squeeze %dma_start3A_518 : memref<1x!tpu.dma_semaphore, #tpu.memory_space<semaphore_mem>> -> memref<!tpu.dma_semaphore, #tpu.memory_space<semaphore_mem>>
        %dma_start3A_520 = arith.constant 0 : i32
        %dma_start3A_521 = arith.constant 0 : i32
        %dma_start3A_522 = arith.constant 0 : i32
        %dma_start3A_523 = tpu.memref_slice %arg9[%rem3A_490, %dma_start3A_520, %dma_start3A_521, %dma_start3A_522] : memref<2x12x8x512xf32, #tpu.memory_space<vmem>> -> memref<1x12x8x512xf32, #tpu.memory_space<vmem>>
        %dma_start3A_524 = tpu.memref_squeeze %dma_start3A_523 : memref<1x12x8x512xf32, #tpu.memory_space<vmem>> -> memref<12x8x512xf32, #tpu.memory_space<vmem>>
        %dma_start3A_525 = arith.constant 0 : i32
        %dma_start3A_526 = tpu.memref_slice %arg2[%select_n3A, %mul3A_32, %mul3A_492, %dma_start3A_525] : memref<4x96x512x512xf32, #tpu.memory_space<hbm>> -> memref<1x12x8x512xf32, #tpu.memory_space<hbm>>
        %dma_start3A_527 = tpu.memref_squeeze %dma_start3A_526 : memref<1x12x8x512xf32, #tpu.memory_space<hbm>> -> memref<12x8x512xf32, #tpu.memory_space<hbm>>
        tpu.enqueue_dma source(%dma_start3A_527 : memref<12x8x512xf32, #tpu.memory_space<hbm>>) target(%dma_start3A_524 : memref<12x8x512xf32, #tpu.memory_space<vmem>>) target_semaphore(%dma_start3A_519 : memref<!tpu.dma_semaphore, #tpu.memory_space<semaphore_mem>>)
      } else {
      }
      %mul3A_446 = arith.constant 8 : i32
      %mul3A_447 = arith.muli %scan3A_437, %mul3A_446 : i32
      %dma_wait3A = arith.constant 0 : i32
      %dma_wait3A_448 = arith.constant 0 : i32
      %dma_wait3A_449 = arith.constant 0 : i32
      %dma_wait3A_450 = tpu.memref_slice %arg8[%rem3A_440, %dma_wait3A_448, %dma_wait3A_449] : memref<2x8x512xi32, #tpu.memory_space<vmem>> -> memref<1x8x512xi32, #tpu.memory_space<vmem>>
      %dma_wait3A_451 = tpu.memref_squeeze %dma_wait3A_450 : memref<1x8x512xi32, #tpu.memory_space<vmem>> -> memref<8x512xi32, #tpu.memory_space<vmem>>
      %dma_wait3A_452 = arith.constant 0 : i32
      %dma_wait3A_453 = tpu.memref_slice %arg3[%select_n3A, %dma_wait3A, %mul3A_447, %dma_wait3A_452] : memref<4x1x512x512xi32, #tpu.memory_space<hbm>> -> memref<1x1x8x512xi32, #tpu.memory_space<hbm>>
      %dma_wait3A_454 = tpu.memref_squeeze %dma_wait3A_453 : memref<1x1x8x512xi32, #tpu.memory_space<hbm>> -> memref<8x512xi32, #tpu.memory_space<hbm>>
      %dma_wait3A_455 = tpu.memref_slice %arg10[%rem3A_440] : memref<2x!tpu.dma_semaphore, #tpu.memory_space<semaphore_mem>> -> memref<1x!tpu.dma_semaphore, #tpu.memory_space<semaphore_mem>>
      %dma_wait3A_456 = tpu.memref_squeeze %dma_wait3A_455 : memref<1x!tpu.dma_semaphore, #tpu.memory_space<semaphore_mem>> -> memref<!tpu.dma_semaphore, #tpu.memory_space<semaphore_mem>>
      %dma_wait3A_457 = arith.constant 0 : i32
      %dma_wait3A_458 = arith.constant 0 : i32
      %dma_wait3A_459 = tpu.memref_slice %arg8[%rem3A_440, %dma_wait3A_457, %dma_wait3A_458] : memref<2x8x512xi32, #tpu.memory_space<vmem>> -> memref<1x8x512xi32, #tpu.memory_space<vmem>>
      %dma_wait3A_460 = tpu.memref_squeeze %dma_wait3A_459 : memref<1x8x512xi32, #tpu.memory_space<vmem>> -> memref<8x512xi32, #tpu.memory_space<vmem>>
      %dma_wait3A_461 = arith.constant 0 : i32
      %dma_wait3A_462 = tpu.memref_slice %arg3[%select_n3A, %dma_wait3A, %mul3A_447, %dma_wait3A_461] : memref<4x1x512x512xi32, #tpu.memory_space<hbm>> -> memref<1x1x8x512xi32, #tpu.memory_space<hbm>>
      %dma_wait3A_463 = tpu.memref_squeeze %dma_wait3A_462 : memref<1x1x8x512xi32, #tpu.memory_space<hbm>> -> memref<8x512xi32, #tpu.memory_space<hbm>>
      tpu.wait_dma2 semaphore(%dma_wait3A_456 : memref<!tpu.dma_semaphore, #tpu.memory_space<semaphore_mem>>) src(%dma_wait3A_463 : memref<8x512xi32, #tpu.memory_space<hbm>>) dst(%dma_wait3A_460 : memref<8x512xi32, #tpu.memory_space<vmem>>)
      %dma_wait3A_464 = arith.constant 0 : i32
      %dma_wait3A_465 = arith.constant 0 : i32
      %dma_wait3A_466 = arith.constant 0 : i32
      %dma_wait3A_467 = tpu.memref_slice %arg9[%rem3A_440, %dma_wait3A_464, %dma_wait3A_465, %dma_wait3A_466] : memref<2x12x8x512xf32, #tpu.memory_space<vmem>> -> memref<1x12x8x512xf32, #tpu.memory_space<vmem>>
      %dma_wait3A_468 = tpu.memref_squeeze %dma_wait3A_467 : memref<1x12x8x512xf32, #tpu.memory_space<vmem>> -> memref<12x8x512xf32, #tpu.memory_space<vmem>>
      %dma_wait3A_469 = arith.constant 0 : i32
      %dma_wait3A_470 = tpu.memref_slice %arg2[%select_n3A, %mul3A_32, %mul3A_447, %dma_wait3A_469] : memref<4x96x512x512xf32, #tpu.memory_space<hbm>> -> memref<1x12x8x512xf32, #tpu.memory_space<hbm>>
      %dma_wait3A_471 = tpu.memref_squeeze %dma_wait3A_470 : memref<1x12x8x512xf32, #tpu.memory_space<hbm>> -> memref<12x8x512xf32, #tpu.memory_space<hbm>>
      %dma_wait3A_472 = tpu.memref_slice %arg10[%rem3A_440] : memref<2x!tpu.dma_semaphore, #tpu.memory_space<semaphore_mem>> -> memref<1x!tpu.dma_semaphore, #tpu.memory_space<semaphore_mem>>
      %dma_wait3A_473 = tpu.memref_squeeze %dma_wait3A_472 : memref<1x!tpu.dma_semaphore, #tpu.memory_space<semaphore_mem>> -> memref<!tpu.dma_semaphore, #tpu.memory_space<semaphore_mem>>
      %dma_wait3A_474 = arith.constant 0 : i32
      %dma_wait3A_475 = arith.constant 0 : i32
      %dma_wait3A_476 = arith.constant 0 : i32
      %dma_wait3A_477 = tpu.memref_slice %arg9[%rem3A_440, %dma_wait3A_474, %dma_wait3A_475, %dma_wait3A_476] : memref<2x12x8x512xf32, #tpu.memory_space<vmem>> -> memref<1x12x8x512xf32, #tpu.memory_space<vmem>>
      %dma_wait3A_478 = tpu.memref_squeeze %dma_wait3A_477 : memref<1x12x8x512xf32, #tpu.memory_space<vmem>> -> memref<12x8x512xf32, #tpu.memory_space<vmem>>
      %dma_wait3A_479 = arith.constant 0 : i32
      %dma_wait3A_480 = tpu.memref_slice %arg2[%select_n3A, %mul3A_32, %mul3A_447, %dma_wait3A_479] : memref<4x96x512x512xf32, #tpu.memory_space<hbm>> -> memref<1x12x8x512xf32, #tpu.memory_space<hbm>>
      %dma_wait3A_481 = tpu.memref_squeeze %dma_wait3A_480 : memref<1x12x8x512xf32, #tpu.memory_space<hbm>> -> memref<12x8x512xf32, #tpu.memory_space<hbm>>
      tpu.wait_dma2 semaphore(%dma_wait3A_473 : memref<!tpu.dma_semaphore, #tpu.memory_space<semaphore_mem>>) src(%dma_wait3A_481 : memref<12x8x512xf32, #tpu.memory_space<hbm>>) dst(%dma_wait3A_478 : memref<12x8x512xf32, #tpu.memory_space<vmem>>)
      %parallel_loop3A = arith.constant 0 : i32
      %parallel_loop3A_482 = arith.constant 256 : i32
      %parallel_loop3A_483 = arith.constant 1 : i32
      scf.for %parallel_loop3A_485 = %parallel_loop3A to %parallel_loop3A_482 step %parallel_loop3A_483  : i32 {
        %parallel_loop3A_486 = arith.constant 32 : i32
        %parallel_loop3A_487 = arith.divsi %parallel_loop3A_485, %parallel_loop3A_486 : i32
        %parallel_loop3A_488 = arith.constant 0 : i32
        %parallel_loop3A_489 = arith.cmpi sgt, %parallel_loop3A_485, %parallel_loop3A_488 : i32
        %parallel_loop3A_490 = arith.extui %parallel_loop3A_489 : i1 to i32
        %parallel_loop3A_491 = arith.constant 0 : i32
        %parallel_loop3A_492 = arith.cmpi slt, %parallel_loop3A_485, %parallel_loop3A_491 : i32
        %parallel_loop3A_493 = arith.extui %parallel_loop3A_492 : i1 to i32
        %parallel_loop3A_494 = arith.subi %parallel_loop3A_490, %parallel_loop3A_493 : i32
        %parallel_loop3A_495 = arith.constant 0 : i32
        %parallel_loop3A_496 = arith.cmpi sgt, %parallel_loop3A_486, %parallel_loop3A_495 : i32
        %parallel_loop3A_497 = arith.extui %parallel_loop3A_496 : i1 to i32
        %parallel_loop3A_498 = arith.constant 0 : i32
        %parallel_loop3A_499 = arith.cmpi slt, %parallel_loop3A_486, %parallel_loop3A_498 : i32
        %parallel_loop3A_500 = arith.extui %parallel_loop3A_499 : i1 to i32
        %parallel_loop3A_501 = arith.subi %parallel_loop3A_497, %parallel_loop3A_500 : i32
        %parallel_loop3A_502 = arith.cmpi ne, %parallel_loop3A_494, %parallel_loop3A_501 : i32
        %parallel_loop3A_503 = arith.remsi %parallel_loop3A_485, %parallel_loop3A_486 : i32
        %parallel_loop3A_504 = arith.constant 0 : i32
        %parallel_loop3A_505 = arith.cmpi ne, %parallel_loop3A_503, %parallel_loop3A_504 : i32
        %parallel_loop3A_506 = arith.andi %parallel_loop3A_502, %parallel_loop3A_505 : i1
        %parallel_loop3A_507 = arith.constant 1 : i32
        %parallel_loop3A_508 = arith.subi %parallel_loop3A_487, %parallel_loop3A_507 : i32
        %parallel_loop3A_509 = arith.select %parallel_loop3A_506, %parallel_loop3A_508, %parallel_loop3A_487 : i32
        %parallel_loop3A_510 = arith.constant 32 : i32
        %parallel_loop3A_511 = arith.constant 0 : i32
        %parallel_loop3A_512 = arith.cmpi eq, %parallel_loop3A_510, %parallel_loop3A_511 : i32
        %parallel_loop3A_513 = arith.constant 1 : i32
        %parallel_loop3A_514 = arith.select %parallel_loop3A_512, %parallel_loop3A_513, %parallel_loop3A_510 : i32
        %parallel_loop3A_515 = arith.remsi %parallel_loop3A_485, %parallel_loop3A_514 : i32
        %parallel_loop3A_516 = arith.constant 0 : i32
        %parallel_loop3A_517 = arith.cmpi ne, %parallel_loop3A_515, %parallel_loop3A_516 : i32
        %parallel_loop3A_518 = arith.constant 0 : i32
        %parallel_loop3A_519 = arith.cmpi slt, %parallel_loop3A_515, %parallel_loop3A_518 : i32
        %parallel_loop3A_520 = arith.constant 0 : i32
        %parallel_loop3A_521 = arith.cmpi slt, %parallel_loop3A_514, %parallel_loop3A_520 : i32
        %parallel_loop3A_522 = arith.xori %parallel_loop3A_519, %parallel_loop3A_521 : i1
        %parallel_loop3A_523 = arith.andi %parallel_loop3A_522, %parallel_loop3A_517 : i1
        %parallel_loop3A_524 = arith.addi %parallel_loop3A_515, %parallel_loop3A_514 : i32
        %parallel_loop3A_525 = arith.select %parallel_loop3A_523, %parallel_loop3A_524, %parallel_loop3A_515 : i32
        %parallel_loop3A_526 = arith.constant 16 : i32
        %parallel_loop3A_527 = arith.muli %parallel_loop3A_525, %parallel_loop3A_526 : i32
        %parallel_loop3A_528 = arith.index_cast %rem3A_440 : i32 to index
        %parallel_loop3A_529 = arith.index_cast %parallel_loop3A_509 : i32 to index
        %parallel_loop3A_530 = arith.index_cast %parallel_loop3A_527 : i32 to index
        %parallel_loop3A_531 = tpu.vector_load %arg8[%parallel_loop3A_528, %parallel_loop3A_529, %parallel_loop3A_530] {strides = array<i32>} : memref<2x8x512xi32, #tpu.memory_space<vmem>>, vector<16xi32>,
        tpu.vector_store_idx %arg23[%parallel_loop3A_531], %broadcast_in_dim3A_35 {add = true} : memref<1024xf32, #tpu.memory_space<vmem>>[vector<16xi32>], vector<16xf32>,
        %parallel_loop3A_532 = arith.constant 0 : i32
        %parallel_loop3A_533 = arith.index_cast %rem3A_440 : i32 to index
        %parallel_loop3A_534 = arith.index_cast %parallel_loop3A_532 : i32 to index
        %parallel_loop3A_535 = arith.index_cast %parallel_loop3A_509 : i32 to index
        %parallel_loop3A_536 = arith.index_cast %parallel_loop3A_527 : i32 to index
        %parallel_loop3A_537 = tpu.vector_load %arg9[%parallel_loop3A_533, %parallel_loop3A_534, %parallel_loop3A_535, %parallel_loop3A_536] {strides = array<i32>} : memref<2x12x8x512xf32, #tpu.memory_space<vmem>>, vector<16xf32>,
        tpu.vector_store_idx %arg11[%parallel_loop3A_531], %parallel_loop3A_537 {add = true} : memref<1024xf32, #tpu.memory_space<vmem>>[vector<16xi32>], vector<16xf32>,
        %parallel_loop3A_538 = arith.constant 1 : i32
        %parallel_loop3A_539 = arith.index_cast %rem3A_440 : i32 to index
        %parallel_loop3A_540 = arith.index_cast %parallel_loop3A_538 : i32 to index
        %parallel_loop3A_541 = arith.index_cast %parallel_loop3A_509 : i32 to index
        %parallel_loop3A_542 = arith.index_cast %parallel_loop3A_527 : i32 to index
        %parallel_loop3A_543 = tpu.vector_load %arg9[%parallel_loop3A_539, %parallel_loop3A_540, %parallel_loop3A_541, %parallel_loop3A_542] {strides = array<i32>} : memref<2x12x8x512xf32, #tpu.memory_space<vmem>>, vector<16xf32>,
        tpu.vector_store_idx %arg12[%parallel_loop3A_531], %parallel_loop3A_543 {add = true} : memref<1024xf32, #tpu.memory_space<vmem>>[vector<16xi32>], vector<16xf32>,
        %parallel_loop3A_544 = arith.constant 2 : i32
        %parallel_loop3A_545 = arith.index_cast %rem3A_440 : i32 to index
        %parallel_loop3A_546 = arith.index_cast %parallel_loop3A_544 : i32 to index
        %parallel_loop3A_547 = arith.index_cast %parallel_loop3A_509 : i32 to index
        %parallel_loop3A_548 = arith.index_cast %parallel_loop3A_527 : i32 to index
        %parallel_loop3A_549 = tpu.vector_load %arg9[%parallel_loop3A_545, %parallel_loop3A_546, %parallel_loop3A_547, %parallel_loop3A_548] {strides = array<i32>} : memref<2x12x8x512xf32, #tpu.memory_space<vmem>>, vector<16xf32>,
        tpu.vector_store_idx %arg13[%parallel_loop3A_531], %parallel_loop3A_549 {add = true} : memref<1024xf32, #tpu.memory_space<vmem>>[vector<16xi32>], vector<16xf32>,
        %parallel_loop3A_550 = arith.constant 3 : i32
        %parallel_loop3A_551 = arith.index_cast %rem3A_440 : i32 to index
        %parallel_loop3A_552 = arith.index_cast %parallel_loop3A_550 : i32 to index
        %parallel_loop3A_553 = arith.index_cast %parallel_loop3A_509 : i32 to index
        %parallel_loop3A_554 = arith.index_cast %parallel_loop3A_527 : i32 to index
        %parallel_loop3A_555 = tpu.vector_load %arg9[%parallel_loop3A_551, %parallel_loop3A_552, %parallel_loop3A_553, %parallel_loop3A_554] {strides = array<i32>} : memref<2x12x8x512xf32, #tpu.memory_space<vmem>>, vector<16xf32>,
        tpu.vector_store_idx %arg14[%parallel_loop3A_531], %parallel_loop3A_555 {add = true} : memref<1024xf32, #tpu.memory_space<vmem>>[vector<16xi32>], vector<16xf32>,
        %parallel_loop3A_556 = arith.constant 4 : i32
        %parallel_loop3A_557 = arith.index_cast %rem3A_440 : i32 to index
        %parallel_loop3A_558 = arith.index_cast %parallel_loop3A_556 : i32 to index
        %parallel_loop3A_559 = arith.index_cast %parallel_loop3A_509 : i32 to index
        %parallel_loop3A_560 = arith.index_cast %parallel_loop3A_527 : i32 to index
        %parallel_loop3A_561 = tpu.vector_load %arg9[%parallel_loop3A_557, %parallel_loop3A_558, %parallel_loop3A_559, %parallel_loop3A_560] {strides = array<i32>} : memref<2x12x8x512xf32, #tpu.memory_space<vmem>>, vector<16xf32>,
        tpu.vector_store_idx %arg15[%parallel_loop3A_531], %parallel_loop3A_561 {add = true} : memref<1024xf32, #tpu.memory_space<vmem>>[vector<16xi32>], vector<16xf32>,
        %parallel_loop3A_562 = arith.constant 5 : i32
        %parallel_loop3A_563 = arith.index_cast %rem3A_440 : i32 to index
        %parallel_loop3A_564 = arith.index_cast %parallel_loop3A_562 : i32 to index
        %parallel_loop3A_565 = arith.index_cast %parallel_loop3A_509 : i32 to index
        %parallel_loop3A_566 = arith.index_cast %parallel_loop3A_527 : i32 to index
        %parallel_loop3A_567 = tpu.vector_load %arg9[%parallel_loop3A_563, %parallel_loop3A_564, %parallel_loop3A_565, %parallel_loop3A_566] {strides = array<i32>} : memref<2x12x8x512xf32, #tpu.memory_space<vmem>>, vector<16xf32>,
        tpu.vector_store_idx %arg16[%parallel_loop3A_531], %parallel_loop3A_567 {add = true} : memref<1024xf32, #tpu.memory_space<vmem>>[vector<16xi32>], vector<16xf32>,
        %parallel_loop3A_568 = arith.constant 6 : i32
        %parallel_loop3A_569 = arith.index_cast %rem3A_440 : i32 to index
        %parallel_loop3A_570 = arith.index_cast %parallel_loop3A_568 : i32 to index
        %parallel_loop3A_571 = arith.index_cast %parallel_loop3A_509 : i32 to index
        %parallel_loop3A_572 = arith.index_cast %parallel_loop3A_527 : i32 to index
        %parallel_loop3A_573 = tpu.vector_load %arg9[%parallel_loop3A_569, %parallel_loop3A_570, %parallel_loop3A_571, %parallel_loop3A_572] {strides = array<i32>} : memref<2x12x8x512xf32, #tpu.memory_space<vmem>>, vector<16xf32>,
        tpu.vector_store_idx %arg17[%parallel_loop3A_531], %parallel_loop3A_573 {add = true} : memref<1024xf32, #tpu.memory_space<vmem>>[vector<16xi32>], vector<16xf32>,
        %parallel_loop3A_574 = arith.constant 7 : i32
        %parallel_loop3A_575 = arith.index_cast %rem3A_440 : i32 to index
        %parallel_loop3A_576 = arith.index_cast %parallel_loop3A_574 : i32 to index
        %parallel_loop3A_577 = arith.index_cast %parallel_loop3A_509 : i32 to index
        %parallel_loop3A_578 = arith.index_cast %parallel_loop3A_527 : i32 to index
        %parallel_loop3A_579 = tpu.vector_load %arg9[%parallel_loop3A_575, %parallel_loop3A_576, %parallel_loop3A_577, %parallel_loop3A_578] {strides = array<i32>} : memref<2x12x8x512xf32, #tpu.memory_space<vmem>>, vector<16xf32>,
        tpu.vector_store_idx %arg18[%parallel_loop3A_531], %parallel_loop3A_579 {add = true} : memref<1024xf32, #tpu.memory_space<vmem>>[vector<16xi32>], vector<16xf32>,
        %parallel_loop3A_580 = arith.constant 8 : i32
        %parallel_loop3A_581 = arith.index_cast %rem3A_440 : i32 to index
        %parallel_loop3A_582 = arith.index_cast %parallel_loop3A_580 : i32 to index
        %parallel_loop3A_583 = arith.index_cast %parallel_loop3A_509 : i32 to index
        %parallel_loop3A_584 = arith.index_cast %parallel_loop3A_527 : i32 to index
        %parallel_loop3A_585 = tpu.vector_load %arg9[%parallel_loop3A_581, %parallel_loop3A_582, %parallel_loop3A_583, %parallel_loop3A_584] {strides = array<i32>} : memref<2x12x8x512xf32, #tpu.memory_space<vmem>>, vector<16xf32>,
        tpu.vector_store_idx %arg19[%parallel_loop3A_531], %parallel_loop3A_585 {add = true} : memref<1024xf32, #tpu.memory_space<vmem>>[vector<16xi32>], vector<16xf32>,
        %parallel_loop3A_586 = arith.constant 9 : i32
        %parallel_loop3A_587 = arith.index_cast %rem3A_440 : i32 to index
        %parallel_loop3A_588 = arith.index_cast %parallel_loop3A_586 : i32 to index
        %parallel_loop3A_589 = arith.index_cast %parallel_loop3A_509 : i32 to index
        %parallel_loop3A_590 = arith.index_cast %parallel_loop3A_527 : i32 to index
        %parallel_loop3A_591 = tpu.vector_load %arg9[%parallel_loop3A_587, %parallel_loop3A_588, %parallel_loop3A_589, %parallel_loop3A_590] {strides = array<i32>} : memref<2x12x8x512xf32, #tpu.memory_space<vmem>>, vector<16xf32>,
        tpu.vector_store_idx %arg20[%parallel_loop3A_531], %parallel_loop3A_591 {add = true} : memref<1024xf32, #tpu.memory_space<vmem>>[vector<16xi32>], vector<16xf32>,
        %parallel_loop3A_592 = arith.constant 10 : i32
        %parallel_loop3A_593 = arith.index_cast %rem3A_440 : i32 to index
        %parallel_loop3A_594 = arith.index_cast %parallel_loop3A_592 : i32 to index
        %parallel_loop3A_595 = arith.index_cast %parallel_loop3A_509 : i32 to index
        %parallel_loop3A_596 = arith.index_cast %parallel_loop3A_527 : i32 to index
        %parallel_loop3A_597 = tpu.vector_load %arg9[%parallel_loop3A_593, %parallel_loop3A_594, %parallel_loop3A_595, %parallel_loop3A_596] {strides = array<i32>} : memref<2x12x8x512xf32, #tpu.memory_space<vmem>>, vector<16xf32>,
        tpu.vector_store_idx %arg21[%parallel_loop3A_531], %parallel_loop3A_597 {add = true} : memref<1024xf32, #tpu.memory_space<vmem>>[vector<16xi32>], vector<16xf32>,
        %parallel_loop3A_598 = arith.constant 11 : i32
        %parallel_loop3A_599 = arith.index_cast %rem3A_440 : i32 to index
        %parallel_loop3A_600 = arith.index_cast %parallel_loop3A_598 : i32 to index
        %parallel_loop3A_601 = arith.index_cast %parallel_loop3A_509 : i32 to index
        %parallel_loop3A_602 = arith.index_cast %parallel_loop3A_527 : i32 to index
        %parallel_loop3A_603 = tpu.vector_load %arg9[%parallel_loop3A_599, %parallel_loop3A_600, %parallel_loop3A_601, %parallel_loop3A_602] {strides = array<i32>} : memref<2x12x8x512xf32, #tpu.memory_space<vmem>>, vector<16xf32>,
        tpu.vector_store_idx %arg22[%parallel_loop3A_531], %parallel_loop3A_603 {add = true} : memref<1024xf32, #tpu.memory_space<vmem>>[vector<16xi32>], vector<16xf32>,
      } {sc.loop_unroll_factor = 1 : i64, sc.parallel_access}
      %scan3A_484 = arith.constant 0 : i32
      scf.yield %scan3A_484 : i32
    }
    %scan3A_97 = arith.constant 64 : i32
    %scan3A_98 = arith.constant 0 : i32
    %scan3A_99 = arith.constant 0 : i32
    %scan3A_100 = arith.constant 64 : i32
    %scan3A_101 = arith.addi %scan3A_99, %scan3A_100 : i32
    %scan3A_102 = arith.constant 1 : i32
    %scan3A_103 = scf.for %scan3A_437 = %scan3A_99 to %scan3A_101 step %scan3A_102 iter_args(%scan3A_438 = %scan3A_98) -> (i32)  : i32 {
      %mul3A_439 = arith.constant 16 : i32
      %mul3A_440 = arith.muli %scan3A_437, %mul3A_439 : i32
      %get3A_441 = arith.index_cast %mul3A_440 : i32 to index
      %get3A_442 = tpu.vector_load %arg23[%get3A_441] {strides = array<i32>} : memref<1024xf32, #tpu.memory_space<vmem>>, vector<16xf32>,
      %max3A = arith.constant 1.000000e+00 : f32
      %max3A_443 = vector.broadcast %max3A : f32 to vector<16xf32>
      %max3A_444 = arith.maximumf %get3A_442, %max3A_443 : vector<16xf32>
      %div3A_445 = arith.constant 1.000000e+00 : f32
      %div3A_446 = vector.broadcast %div3A_445 : f32 to vector<16xf32>
      %div3A_447 = arith.divf %div3A_446, %max3A_444 : vector<16xf32>
      %swap3A_448 = arith.index_cast %mul3A_440 : i32 to index
      %swap3A_449 = tpu.vector_load %arg24[%swap3A_448] {strides = array<i32>} : memref<1024xf32, #tpu.memory_space<vmem>>, vector<16xf32>,
      tpu.vector_store %arg24[%swap3A_448], %div3A_447 {strides = array<i32>} : memref<1024xf32, #tpu.memory_space<vmem>>, vector<16xf32>,
      %scan3A_450 = arith.constant 0 : i32
      scf.yield %scan3A_450 : i32
    }
    %scan3A_104 = arith.constant 64 : i32
    %scan3A_105 = arith.constant 0 : i32
    %scan3A_106 = arith.constant 0 : i32
    %scan3A_107 = arith.constant 64 : i32
    %scan3A_108 = arith.addi %scan3A_106, %scan3A_107 : i32
    %scan3A_109 = arith.constant 1 : i32
    %scan3A_110 = scf.for %scan3A_437 = %scan3A_106 to %scan3A_108 step %scan3A_109 iter_args(%scan3A_438 = %scan3A_105) -> (i32)  : i32 {
      %mul3A_439 = arith.constant 16 : i32
      %mul3A_440 = arith.muli %scan3A_437, %mul3A_439 : i32
      %get3A_441 = arith.index_cast %mul3A_440 : i32 to index
      %get3A_442 = tpu.vector_load %arg24[%get3A_441] {strides = array<i32>} : memref<1024xf32, #tpu.memory_space<vmem>>, vector<16xf32>,
      %get3A_443 = arith.index_cast %mul3A_440 : i32 to index
      %get3A_444 = tpu.vector_load %arg11[%get3A_443] {strides = array<i32>} : memref<1024xf32, #tpu.memory_space<vmem>>, vector<16xf32>,
      %mul3A_445 = arith.mulf %get3A_444, %get3A_442 : vector<16xf32>
      %swap3A_446 = arith.index_cast %mul3A_440 : i32 to index
      %swap3A_447 = tpu.vector_load %arg11[%swap3A_446] {strides = array<i32>} : memref<1024xf32, #tpu.memory_space<vmem>>, vector<16xf32>,
      tpu.vector_store %arg11[%swap3A_446], %mul3A_445 {strides = array<i32>} : memref<1024xf32, #tpu.memory_space<vmem>>, vector<16xf32>,
      %get3A_448 = arith.index_cast %mul3A_440 : i32 to index
      %get3A_449 = tpu.vector_load %arg12[%get3A_448] {strides = array<i32>} : memref<1024xf32, #tpu.memory_space<vmem>>, vector<16xf32>,
      %mul3A_450 = arith.mulf %get3A_449, %get3A_442 : vector<16xf32>
      %swap3A_451 = arith.index_cast %mul3A_440 : i32 to index
      %swap3A_452 = tpu.vector_load %arg12[%swap3A_451] {strides = array<i32>} : memref<1024xf32, #tpu.memory_space<vmem>>, vector<16xf32>,
      tpu.vector_store %arg12[%swap3A_451], %mul3A_450 {strides = array<i32>} : memref<1024xf32, #tpu.memory_space<vmem>>, vector<16xf32>,
      %get3A_453 = arith.index_cast %mul3A_440 : i32 to index
      %get3A_454 = tpu.vector_load %arg13[%get3A_453] {strides = array<i32>} : memref<1024xf32, #tpu.memory_space<vmem>>, vector<16xf32>,
      %mul3A_455 = arith.mulf %get3A_454, %get3A_442 : vector<16xf32>
      %swap3A_456 = arith.index_cast %mul3A_440 : i32 to index
      %swap3A_457 = tpu.vector_load %arg13[%swap3A_456] {strides = array<i32>} : memref<1024xf32, #tpu.memory_space<vmem>>, vector<16xf32>,
      tpu.vector_store %arg13[%swap3A_456], %mul3A_455 {strides = array<i32>} : memref<1024xf32, #tpu.memory_space<vmem>>, vector<16xf32>,
      %get3A_458 = arith.index_cast %mul3A_440 : i32 to index
      %get3A_459 = tpu.vector_load %arg14[%get3A_458] {strides = array<i32>} : memref<1024xf32, #tpu.memory_space<vmem>>, vector<16xf32>,
      %mul3A_460 = arith.mulf %get3A_459, %get3A_442 : vector<16xf32>
      %swap3A_461 = arith.index_cast %mul3A_440 : i32 to index
      %swap3A_462 = tpu.vector_load %arg14[%swap3A_461] {strides = array<i32>} : memref<1024xf32, #tpu.memory_space<vmem>>, vector<16xf32>,
      tpu.vector_store %arg14[%swap3A_461], %mul3A_460 {strides = array<i32>} : memref<1024xf32, #tpu.memory_space<vmem>>, vector<16xf32>,
      %get3A_463 = arith.index_cast %mul3A_440 : i32 to index
      %get3A_464 = tpu.vector_load %arg15[%get3A_463] {strides = array<i32>} : memref<1024xf32, #tpu.memory_space<vmem>>, vector<16xf32>,
      %mul3A_465 = arith.mulf %get3A_464, %get3A_442 : vector<16xf32>
      %swap3A_466 = arith.index_cast %mul3A_440 : i32 to index
      %swap3A_467 = tpu.vector_load %arg15[%swap3A_466] {strides = array<i32>} : memref<1024xf32, #tpu.memory_space<vmem>>, vector<16xf32>,
      tpu.vector_store %arg15[%swap3A_466], %mul3A_465 {strides = array<i32>} : memref<1024xf32, #tpu.memory_space<vmem>>, vector<16xf32>,
      %get3A_468 = arith.index_cast %mul3A_440 : i32 to index
      %get3A_469 = tpu.vector_load %arg16[%get3A_468] {strides = array<i32>} : memref<1024xf32, #tpu.memory_space<vmem>>, vector<16xf32>,
      %mul3A_470 = arith.mulf %get3A_469, %get3A_442 : vector<16xf32>
      %swap3A_471 = arith.index_cast %mul3A_440 : i32 to index
      %swap3A_472 = tpu.vector_load %arg16[%swap3A_471] {strides = array<i32>} : memref<1024xf32, #tpu.memory_space<vmem>>, vector<16xf32>,
      tpu.vector_store %arg16[%swap3A_471], %mul3A_470 {strides = array<i32>} : memref<1024xf32, #tpu.memory_space<vmem>>, vector<16xf32>,
      %get3A_473 = arith.index_cast %mul3A_440 : i32 to index
      %get3A_474 = tpu.vector_load %arg17[%get3A_473] {strides = array<i32>} : memref<1024xf32, #tpu.memory_space<vmem>>, vector<16xf32>,
      %mul3A_475 = arith.mulf %get3A_474, %get3A_442 : vector<16xf32>
      %swap3A_476 = arith.index_cast %mul3A_440 : i32 to index
      %swap3A_477 = tpu.vector_load %arg17[%swap3A_476] {strides = array<i32>} : memref<1024xf32, #tpu.memory_space<vmem>>, vector<16xf32>,
      tpu.vector_store %arg17[%swap3A_476], %mul3A_475 {strides = array<i32>} : memref<1024xf32, #tpu.memory_space<vmem>>, vector<16xf32>,
      %get3A_478 = arith.index_cast %mul3A_440 : i32 to index
      %get3A_479 = tpu.vector_load %arg18[%get3A_478] {strides = array<i32>} : memref<1024xf32, #tpu.memory_space<vmem>>, vector<16xf32>,
      %mul3A_480 = arith.mulf %get3A_479, %get3A_442 : vector<16xf32>
      %swap3A_481 = arith.index_cast %mul3A_440 : i32 to index
      %swap3A_482 = tpu.vector_load %arg18[%swap3A_481] {strides = array<i32>} : memref<1024xf32, #tpu.memory_space<vmem>>, vector<16xf32>,
      tpu.vector_store %arg18[%swap3A_481], %mul3A_480 {strides = array<i32>} : memref<1024xf32, #tpu.memory_space<vmem>>, vector<16xf32>,
      %get3A_483 = arith.index_cast %mul3A_440 : i32 to index
      %get3A_484 = tpu.vector_load %arg19[%get3A_483] {strides = array<i32>} : memref<1024xf32, #tpu.memory_space<vmem>>, vector<16xf32>,
      %mul3A_485 = arith.mulf %get3A_484, %get3A_442 : vector<16xf32>
      %swap3A_486 = arith.index_cast %mul3A_440 : i32 to index
      %swap3A_487 = tpu.vector_load %arg19[%swap3A_486] {strides = array<i32>} : memref<1024xf32, #tpu.memory_space<vmem>>, vector<16xf32>,
      tpu.vector_store %arg19[%swap3A_486], %mul3A_485 {strides = array<i32>} : memref<1024xf32, #tpu.memory_space<vmem>>, vector<16xf32>,
      %get3A_488 = arith.index_cast %mul3A_440 : i32 to index
      %get3A_489 = tpu.vector_load %arg20[%get3A_488] {strides = array<i32>} : memref<1024xf32, #tpu.memory_space<vmem>>, vector<16xf32>,
      %mul3A_490 = arith.mulf %get3A_489, %get3A_442 : vector<16xf32>
      %swap3A_491 = arith.index_cast %mul3A_440 : i32 to index
      %swap3A_492 = tpu.vector_load %arg20[%swap3A_491] {strides = array<i32>} : memref<1024xf32, #tpu.memory_space<vmem>>, vector<16xf32>,
      tpu.vector_store %arg20[%swap3A_491], %mul3A_490 {strides = array<i32>} : memref<1024xf32, #tpu.memory_space<vmem>>, vector<16xf32>,
      %get3A_493 = arith.index_cast %mul3A_440 : i32 to index
      %get3A_494 = tpu.vector_load %arg21[%get3A_493] {strides = array<i32>} : memref<1024xf32, #tpu.memory_space<vmem>>, vector<16xf32>,
      %mul3A_495 = arith.mulf %get3A_494, %get3A_442 : vector<16xf32>
      %swap3A_496 = arith.index_cast %mul3A_440 : i32 to index
      %swap3A_497 = tpu.vector_load %arg21[%swap3A_496] {strides = array<i32>} : memref<1024xf32, #tpu.memory_space<vmem>>, vector<16xf32>,
      tpu.vector_store %arg21[%swap3A_496], %mul3A_495 {strides = array<i32>} : memref<1024xf32, #tpu.memory_space<vmem>>, vector<16xf32>,
      %get3A_498 = arith.index_cast %mul3A_440 : i32 to index
      %get3A_499 = tpu.vector_load %arg22[%get3A_498] {strides = array<i32>} : memref<1024xf32, #tpu.memory_space<vmem>>, vector<16xf32>,
      %mul3A_500 = arith.mulf %get3A_499, %get3A_442 : vector<16xf32>
      %swap3A_501 = arith.index_cast %mul3A_440 : i32 to index
      %swap3A_502 = tpu.vector_load %arg22[%swap3A_501] {strides = array<i32>} : memref<1024xf32, #tpu.memory_space<vmem>>, vector<16xf32>,
      tpu.vector_store %arg22[%swap3A_501], %mul3A_500 {strides = array<i32>} : memref<1024xf32, #tpu.memory_space<vmem>>, vector<16xf32>,
      %scan3A_503 = arith.constant 0 : i32
      scf.yield %scan3A_503 : i32
    }
    %scan3A_111 = arith.constant 64 : i32
    "tpu.region"() ({
      %run_scoped3A = tpu.sem_alloc : memref<!tpu.dma_semaphore, #tpu.memory_space<semaphore_mem>>
      %dma_start3A_437 = arith.constant 0 : i32
      %dma_start3A_438 = arith.constant 0 : i32
      %dma_start3A_439 = tpu.memref_slice %arg4[%select_n3A, %dma_start3A_437, %dma_start3A_438] : memref<4x1x64xi32, #tpu.memory_space<hbm>> -> memref<1x1x64xi32, #tpu.memory_space<hbm>>
      %dma_start3A_440 = tpu.memref_squeeze %dma_start3A_439 : memref<1x1x64xi32, #tpu.memory_space<hbm>> -> memref<1x64xi32, #tpu.memory_space<hbm>>
      %dma_start3A_441 = arith.constant 0 : i32
      %dma_start3A_442 = arith.constant 0 : i32
      %dma_start3A_443 = tpu.memref_slice %arg4[%select_n3A, %dma_start3A_441, %dma_start3A_442] : memref<4x1x64xi32, #tpu.memory_space<hbm>> -> memref<1x1x64xi32, #tpu.memory_space<hbm>>
      %dma_start3A_444 = tpu.memref_squeeze %dma_start3A_443 : memref<1x1x64xi32, #tpu.memory_space<hbm>> -> memref<1x64xi32, #tpu.memory_space<hbm>>
      tpu.enqueue_dma source(%dma_start3A_444 : memref<1x64xi32, #tpu.memory_space<hbm>>) target(%arg25 : memref<1x64xi32, #tpu.memory_space<vmem>>) target_semaphore(%run_scoped3A : memref<!tpu.dma_semaphore, #tpu.memory_space<semaphore_mem>>)
      %dma_wait3A = arith.constant 0 : i32
      %dma_wait3A_445 = arith.constant 0 : i32
      %dma_wait3A_446 = tpu.memref_slice %arg4[%select_n3A, %dma_wait3A, %dma_wait3A_445] : memref<4x1x64xi32, #tpu.memory_space<hbm>> -> memref<1x1x64xi32, #tpu.memory_space<hbm>>
      %dma_wait3A_447 = tpu.memref_squeeze %dma_wait3A_446 : memref<1x1x64xi32, #tpu.memory_space<hbm>> -> memref<1x64xi32, #tpu.memory_space<hbm>>
      %dma_wait3A_448 = arith.constant 0 : i32
      %dma_wait3A_449 = arith.constant 0 : i32
      %dma_wait3A_450 = tpu.memref_slice %arg4[%select_n3A, %dma_wait3A_448, %dma_wait3A_449] : memref<4x1x64xi32, #tpu.memory_space<hbm>> -> memref<1x1x64xi32, #tpu.memory_space<hbm>>
      %dma_wait3A_451 = tpu.memref_squeeze %dma_wait3A_450 : memref<1x1x64xi32, #tpu.memory_space<hbm>> -> memref<1x64xi32, #tpu.memory_space<hbm>>
      tpu.wait_dma2 semaphore(%run_scoped3A : memref<!tpu.dma_semaphore, #tpu.memory_space<semaphore_mem>>) src(%dma_wait3A_451 : memref<1x64xi32, #tpu.memory_space<hbm>>) dst(%arg25 : memref<1x64xi32, #tpu.memory_space<vmem>>)
      tpu.yield
    }) : () -> ()
    "tpu.region"() ({
      %run_scoped3A = tpu.sem_alloc : memref<!tpu.dma_semaphore, #tpu.memory_space<semaphore_mem>>
      %dma_start3A_437 = arith.constant 0 : i32
      %dma_start3A_438 = arith.constant 0 : i32
      %dma_start3A_439 = tpu.memref_slice %arg5[%select_n3A, %dma_start3A_437, %dma_start3A_438] : memref<4x1x64xi32, #tpu.memory_space<hbm>> -> memref<1x1x64xi32, #tpu.memory_space<hbm>>
      %dma_start3A_440 = tpu.memref_squeeze %dma_start3A_439 : memref<1x1x64xi32, #tpu.memory_space<hbm>> -> memref<1x64xi32, #tpu.memory_space<hbm>>
      %dma_start3A_441 = arith.constant 0 : i32
      %dma_start3A_442 = arith.constant 0 : i32
      %dma_start3A_443 = tpu.memref_slice %arg5[%select_n3A, %dma_start3A_441, %dma_start3A_442] : memref<4x1x64xi32, #tpu.memory_space<hbm>> -> memref<1x1x64xi32, #tpu.memory_space<hbm>>
      %dma_start3A_444 = tpu.memref_squeeze %dma_start3A_443 : memref<1x1x64xi32, #tpu.memory_space<hbm>> -> memref<1x64xi32, #tpu.memory_space<hbm>>
      tpu.enqueue_dma source(%dma_start3A_444 : memref<1x64xi32, #tpu.memory_space<hbm>>) target(%arg26 : memref<1x64xi32, #tpu.memory_space<vmem>>) target_semaphore(%run_scoped3A : memref<!tpu.dma_semaphore, #tpu.memory_space<semaphore_mem>>)
      %dma_wait3A = arith.constant 0 : i32
      %dma_wait3A_445 = arith.constant 0 : i32
      %dma_wait3A_446 = tpu.memref_slice %arg5[%select_n3A, %dma_wait3A, %dma_wait3A_445] : memref<4x1x64xi32, #tpu.memory_space<hbm>> -> memref<1x1x64xi32, #tpu.memory_space<hbm>>
      %dma_wait3A_447 = tpu.memref_squeeze %dma_wait3A_446 : memref<1x1x64xi32, #tpu.memory_space<hbm>> -> memref<1x64xi32, #tpu.memory_space<hbm>>
      %dma_wait3A_448 = arith.constant 0 : i32
      %dma_wait3A_449 = arith.constant 0 : i32
      %dma_wait3A_450 = tpu.memref_slice %arg5[%select_n3A, %dma_wait3A_448, %dma_wait3A_449] : memref<4x1x64xi32, #tpu.memory_space<hbm>> -> memref<1x1x64xi32, #tpu.memory_space<hbm>>
      %dma_wait3A_451 = tpu.memref_squeeze %dma_wait3A_450 : memref<1x1x64xi32, #tpu.memory_space<hbm>> -> memref<1x64xi32, #tpu.memory_space<hbm>>
      tpu.wait_dma2 semaphore(%run_scoped3A : memref<!tpu.dma_semaphore, #tpu.memory_space<semaphore_mem>>) src(%dma_wait3A_451 : memref<1x64xi32, #tpu.memory_space<hbm>>) dst(%arg26 : memref<1x64xi32, #tpu.memory_space<vmem>>)
      tpu.yield
    }) : () -> ()
    %get3A = arith.constant 0 : i32
    %get3A_112 = arith.index_cast %get3A : i32 to index
    %get3A_113 = arith.constant 0 : index
    %get3A_114 = tpu.vector_load %arg25[%get3A_112, %get3A_113] {strides = array<i32>} : memref<1x64xi32, #tpu.memory_space<vmem>>, vector<16xi32>,
    %get3A_115 = arith.constant 0 : i32
    %get3A_116 = arith.index_cast %get3A_115 : i32 to index
    %get3A_117 = arith.constant 0 : index
    %get3A_118 = tpu.vector_load %arg26[%get3A_116, %get3A_117] {strides = array<i32>} : memref<1x64xi32, #tpu.memory_space<vmem>>, vector<16xi32>,
    %gather3A = tpu.vector_load_idx %arg11[%get3A_114] : memref<1024xf32, #tpu.memory_space<vmem>>[vector<16xi32>], vector<16xf32>,
    %swap3A = arith.constant 0 : index
    %swap3A_119 = tpu.vector_load %arg27[%swap3A] {strides = array<i32>} : memref<768xf32, #tpu.memory_space<vmem>>, vector<16xf32>,
    tpu.vector_store %arg27[%swap3A], %gather3A {strides = array<i32>} : memref<768xf32, #tpu.memory_space<vmem>>, vector<16xf32>,
    %gather3A_120 = tpu.vector_load_idx %arg11[%get3A_118] : memref<1024xf32, #tpu.memory_space<vmem>>[vector<16xi32>], vector<16xf32>,
    %swap3A_121 = arith.constant 0 : index
    %swap3A_122 = tpu.vector_load %arg28[%swap3A_121] {strides = array<i32>} : memref<768xf32, #tpu.memory_space<vmem>>, vector<16xf32>,
    tpu.vector_store %arg28[%swap3A_121], %gather3A_120 {strides = array<i32>} : memref<768xf32, #tpu.memory_space<vmem>>, vector<16xf32>,
    %gather3A_123 = tpu.vector_load_idx %arg12[%get3A_114] : memref<1024xf32, #tpu.memory_space<vmem>>[vector<16xi32>], vector<16xf32>,
    %swap3A_124 = arith.constant 64 : index
    %swap3A_125 = tpu.vector_load %arg27[%swap3A_124] {strides = array<i32>} : memref<768xf32, #tpu.memory_space<vmem>>, vector<16xf32>,
    tpu.vector_store %arg27[%swap3A_124], %gather3A_123 {strides = array<i32>} : memref<768xf32, #tpu.memory_space<vmem>>, vector<16xf32>,
    %gather3A_126 = tpu.vector_load_idx %arg12[%get3A_118] : memref<1024xf32, #tpu.memory_space<vmem>>[vector<16xi32>], vector<16xf32>,
    %swap3A_127 = arith.constant 64 : index
    %swap3A_128 = tpu.vector_load %arg28[%swap3A_127] {strides = array<i32>} : memref<768xf32, #tpu.memory_space<vmem>>, vector<16xf32>,
    tpu.vector_store %arg28[%swap3A_127], %gather3A_126 {strides = array<i32>} : memref<768xf32, #tpu.memory_space<vmem>>, vector<16xf32>,
    %gather3A_129 = tpu.vector_load_idx %arg13[%get3A_114] : memref<1024xf32, #tpu.memory_space<vmem>>[vector<16xi32>], vector<16xf32>,
    %swap3A_130 = arith.constant 128 : index
    %swap3A_131 = tpu.vector_load %arg27[%swap3A_130] {strides = array<i32>} : memref<768xf32, #tpu.memory_space<vmem>>, vector<16xf32>,
    tpu.vector_store %arg27[%swap3A_130], %gather3A_129 {strides = array<i32>} : memref<768xf32, #tpu.memory_space<vmem>>, vector<16xf32>,
    %gather3A_132 = tpu.vector_load_idx %arg13[%get3A_118] : memref<1024xf32, #tpu.memory_space<vmem>>[vector<16xi32>], vector<16xf32>,
    %swap3A_133 = arith.constant 128 : index
    %swap3A_134 = tpu.vector_load %arg28[%swap3A_133] {strides = array<i32>} : memref<768xf32, #tpu.memory_space<vmem>>, vector<16xf32>,
    tpu.vector_store %arg28[%swap3A_133], %gather3A_132 {strides = array<i32>} : memref<768xf32, #tpu.memory_space<vmem>>, vector<16xf32>,
    %gather3A_135 = tpu.vector_load_idx %arg14[%get3A_114] : memref<1024xf32, #tpu.memory_space<vmem>>[vector<16xi32>], vector<16xf32>,
    %swap3A_136 = arith.constant 192 : index
    %swap3A_137 = tpu.vector_load %arg27[%swap3A_136] {strides = array<i32>} : memref<768xf32, #tpu.memory_space<vmem>>, vector<16xf32>,
    tpu.vector_store %arg27[%swap3A_136], %gather3A_135 {strides = array<i32>} : memref<768xf32, #tpu.memory_space<vmem>>, vector<16xf32>,
    %gather3A_138 = tpu.vector_load_idx %arg14[%get3A_118] : memref<1024xf32, #tpu.memory_space<vmem>>[vector<16xi32>], vector<16xf32>,
    %swap3A_139 = arith.constant 192 : index
    %swap3A_140 = tpu.vector_load %arg28[%swap3A_139] {strides = array<i32>} : memref<768xf32, #tpu.memory_space<vmem>>, vector<16xf32>,
    tpu.vector_store %arg28[%swap3A_139], %gather3A_138 {strides = array<i32>} : memref<768xf32, #tpu.memory_space<vmem>>, vector<16xf32>,
    %gather3A_141 = tpu.vector_load_idx %arg15[%get3A_114] : memref<1024xf32, #tpu.memory_space<vmem>>[vector<16xi32>], vector<16xf32>,
    %swap3A_142 = arith.constant 256 : index
    %swap3A_143 = tpu.vector_load %arg27[%swap3A_142] {strides = array<i32>} : memref<768xf32, #tpu.memory_space<vmem>>, vector<16xf32>,
    tpu.vector_store %arg27[%swap3A_142], %gather3A_141 {strides = array<i32>} : memref<768xf32, #tpu.memory_space<vmem>>, vector<16xf32>,
    %gather3A_144 = tpu.vector_load_idx %arg15[%get3A_118] : memref<1024xf32, #tpu.memory_space<vmem>>[vector<16xi32>], vector<16xf32>,
    %swap3A_145 = arith.constant 256 : index
    %swap3A_146 = tpu.vector_load %arg28[%swap3A_145] {strides = array<i32>} : memref<768xf32, #tpu.memory_space<vmem>>, vector<16xf32>,
    tpu.vector_store %arg28[%swap3A_145], %gather3A_144 {strides = array<i32>} : memref<768xf32, #tpu.memory_space<vmem>>, vector<16xf32>,
    %gather3A_147 = tpu.vector_load_idx %arg16[%get3A_114] : memref<1024xf32, #tpu.memory_space<vmem>>[vector<16xi32>], vector<16xf32>,
    %swap3A_148 = arith.constant 320 : index
    %swap3A_149 = tpu.vector_load %arg27[%swap3A_148] {strides = array<i32>} : memref<768xf32, #tpu.memory_space<vmem>>, vector<16xf32>,
    tpu.vector_store %arg27[%swap3A_148], %gather3A_147 {strides = array<i32>} : memref<768xf32, #tpu.memory_space<vmem>>, vector<16xf32>,
    %gather3A_150 = tpu.vector_load_idx %arg16[%get3A_118] : memref<1024xf32, #tpu.memory_space<vmem>>[vector<16xi32>], vector<16xf32>,
    %swap3A_151 = arith.constant 320 : index
    %swap3A_152 = tpu.vector_load %arg28[%swap3A_151] {strides = array<i32>} : memref<768xf32, #tpu.memory_space<vmem>>, vector<16xf32>,
    tpu.vector_store %arg28[%swap3A_151], %gather3A_150 {strides = array<i32>} : memref<768xf32, #tpu.memory_space<vmem>>, vector<16xf32>,
    %gather3A_153 = tpu.vector_load_idx %arg17[%get3A_114] : memref<1024xf32, #tpu.memory_space<vmem>>[vector<16xi32>], vector<16xf32>,
    %swap3A_154 = arith.constant 384 : index
    %swap3A_155 = tpu.vector_load %arg27[%swap3A_154] {strides = array<i32>} : memref<768xf32, #tpu.memory_space<vmem>>, vector<16xf32>,
    tpu.vector_store %arg27[%swap3A_154], %gather3A_153 {strides = array<i32>} : memref<768xf32, #tpu.memory_space<vmem>>, vector<16xf32>,
    %gather3A_156 = tpu.vector_load_idx %arg17[%get3A_118] : memref<1024xf32, #tpu.memory_space<vmem>>[vector<16xi32>], vector<16xf32>,
    %swap3A_157 = arith.constant 384 : index
    %swap3A_158 = tpu.vector_load %arg28[%swap3A_157] {strides = array<i32>} : memref<768xf32, #tpu.memory_space<vmem>>, vector<16xf32>,
    tpu.vector_store %arg28[%swap3A_157], %gather3A_156 {strides = array<i32>} : memref<768xf32, #tpu.memory_space<vmem>>, vector<16xf32>,
    %gather3A_159 = tpu.vector_load_idx %arg18[%get3A_114] : memref<1024xf32, #tpu.memory_space<vmem>>[vector<16xi32>], vector<16xf32>,
    %swap3A_160 = arith.constant 448 : index
    %swap3A_161 = tpu.vector_load %arg27[%swap3A_160] {strides = array<i32>} : memref<768xf32, #tpu.memory_space<vmem>>, vector<16xf32>,
    tpu.vector_store %arg27[%swap3A_160], %gather3A_159 {strides = array<i32>} : memref<768xf32, #tpu.memory_space<vmem>>, vector<16xf32>,
    %gather3A_162 = tpu.vector_load_idx %arg18[%get3A_118] : memref<1024xf32, #tpu.memory_space<vmem>>[vector<16xi32>], vector<16xf32>,
    %swap3A_163 = arith.constant 448 : index
    %swap3A_164 = tpu.vector_load %arg28[%swap3A_163] {strides = array<i32>} : memref<768xf32, #tpu.memory_space<vmem>>, vector<16xf32>,
    tpu.vector_store %arg28[%swap3A_163], %gather3A_162 {strides = array<i32>} : memref<768xf32, #tpu.memory_space<vmem>>, vector<16xf32>,
    %gather3A_165 = tpu.vector_load_idx %arg19[%get3A_114] : memref<1024xf32, #tpu.memory_space<vmem>>[vector<16xi32>], vector<16xf32>,
    %swap3A_166 = arith.constant 512 : index
    %swap3A_167 = tpu.vector_load %arg27[%swap3A_166] {strides = array<i32>} : memref<768xf32, #tpu.memory_space<vmem>>, vector<16xf32>,
    tpu.vector_store %arg27[%swap3A_166], %gather3A_165 {strides = array<i32>} : memref<768xf32, #tpu.memory_space<vmem>>, vector<16xf32>,
    %gather3A_168 = tpu.vector_load_idx %arg19[%get3A_118] : memref<1024xf32, #tpu.memory_space<vmem>>[vector<16xi32>], vector<16xf32>,
    %swap3A_169 = arith.constant 512 : index
    %swap3A_170 = tpu.vector_load %arg28[%swap3A_169] {strides = array<i32>} : memref<768xf32, #tpu.memory_space<vmem>>, vector<16xf32>,
    tpu.vector_store %arg28[%swap3A_169], %gather3A_168 {strides = array<i32>} : memref<768xf32, #tpu.memory_space<vmem>>, vector<16xf32>,
    %gather3A_171 = tpu.vector_load_idx %arg20[%get3A_114] : memref<1024xf32, #tpu.memory_space<vmem>>[vector<16xi32>], vector<16xf32>,
    %swap3A_172 = arith.constant 576 : index
    %swap3A_173 = tpu.vector_load %arg27[%swap3A_172] {strides = array<i32>} : memref<768xf32, #tpu.memory_space<vmem>>, vector<16xf32>,
    tpu.vector_store %arg27[%swap3A_172], %gather3A_171 {strides = array<i32>} : memref<768xf32, #tpu.memory_space<vmem>>, vector<16xf32>,
    %gather3A_174 = tpu.vector_load_idx %arg20[%get3A_118] : memref<1024xf32, #tpu.memory_space<vmem>>[vector<16xi32>], vector<16xf32>,
    %swap3A_175 = arith.constant 576 : index
    %swap3A_176 = tpu.vector_load %arg28[%swap3A_175] {strides = array<i32>} : memref<768xf32, #tpu.memory_space<vmem>>, vector<16xf32>,
    tpu.vector_store %arg28[%swap3A_175], %gather3A_174 {strides = array<i32>} : memref<768xf32, #tpu.memory_space<vmem>>, vector<16xf32>,
    %gather3A_177 = tpu.vector_load_idx %arg21[%get3A_114] : memref<1024xf32, #tpu.memory_space<vmem>>[vector<16xi32>], vector<16xf32>,
    %swap3A_178 = arith.constant 640 : index
    %swap3A_179 = tpu.vector_load %arg27[%swap3A_178] {strides = array<i32>} : memref<768xf32, #tpu.memory_space<vmem>>, vector<16xf32>,
    tpu.vector_store %arg27[%swap3A_178], %gather3A_177 {strides = array<i32>} : memref<768xf32, #tpu.memory_space<vmem>>, vector<16xf32>,
    %gather3A_180 = tpu.vector_load_idx %arg21[%get3A_118] : memref<1024xf32, #tpu.memory_space<vmem>>[vector<16xi32>], vector<16xf32>,
    %swap3A_181 = arith.constant 640 : index
    %swap3A_182 = tpu.vector_load %arg28[%swap3A_181] {strides = array<i32>} : memref<768xf32, #tpu.memory_space<vmem>>, vector<16xf32>,
    tpu.vector_store %arg28[%swap3A_181], %gather3A_180 {strides = array<i32>} : memref<768xf32, #tpu.memory_space<vmem>>, vector<16xf32>,
    %gather3A_183 = tpu.vector_load_idx %arg22[%get3A_114] : memref<1024xf32, #tpu.memory_space<vmem>>[vector<16xi32>], vector<16xf32>,
    %swap3A_184 = arith.constant 704 : index
    %swap3A_185 = tpu.vector_load %arg27[%swap3A_184] {strides = array<i32>} : memref<768xf32, #tpu.memory_space<vmem>>, vector<16xf32>,
    tpu.vector_store %arg27[%swap3A_184], %gather3A_183 {strides = array<i32>} : memref<768xf32, #tpu.memory_space<vmem>>, vector<16xf32>,
    %gather3A_186 = tpu.vector_load_idx %arg22[%get3A_118] : memref<1024xf32, #tpu.memory_space<vmem>>[vector<16xi32>], vector<16xf32>,
    %swap3A_187 = arith.constant 704 : index
    %swap3A_188 = tpu.vector_load %arg28[%swap3A_187] {strides = array<i32>} : memref<768xf32, #tpu.memory_space<vmem>>, vector<16xf32>,
    tpu.vector_store %arg28[%swap3A_187], %gather3A_186 {strides = array<i32>} : memref<768xf32, #tpu.memory_space<vmem>>, vector<16xf32>,
    %get3A_189 = arith.constant 0 : i32
    %get3A_190 = arith.index_cast %get3A_189 : i32 to index
    %get3A_191 = arith.constant 16 : index
    %get3A_192 = tpu.vector_load %arg25[%get3A_190, %get3A_191] {strides = array<i32>} : memref<1x64xi32, #tpu.memory_space<vmem>>, vector<16xi32>,
    %get3A_193 = arith.constant 0 : i32
    %get3A_194 = arith.index_cast %get3A_193 : i32 to index
    %get3A_195 = arith.constant 16 : index
    %get3A_196 = tpu.vector_load %arg26[%get3A_194, %get3A_195] {strides = array<i32>} : memref<1x64xi32, #tpu.memory_space<vmem>>, vector<16xi32>,
    %gather3A_197 = tpu.vector_load_idx %arg11[%get3A_192] : memref<1024xf32, #tpu.memory_space<vmem>>[vector<16xi32>], vector<16xf32>,
    %swap3A_198 = arith.constant 16 : index
    %swap3A_199 = tpu.vector_load %arg27[%swap3A_198] {strides = array<i32>} : memref<768xf32, #tpu.memory_space<vmem>>, vector<16xf32>,
    tpu.vector_store %arg27[%swap3A_198], %gather3A_197 {strides = array<i32>} : memref<768xf32, #tpu.memory_space<vmem>>, vector<16xf32>,
    %gather3A_200 = tpu.vector_load_idx %arg11[%get3A_196] : memref<1024xf32, #tpu.memory_space<vmem>>[vector<16xi32>], vector<16xf32>,
    %swap3A_201 = arith.constant 16 : index
    %swap3A_202 = tpu.vector_load %arg28[%swap3A_201] {strides = array<i32>} : memref<768xf32, #tpu.memory_space<vmem>>, vector<16xf32>,
    tpu.vector_store %arg28[%swap3A_201], %gather3A_200 {strides = array<i32>} : memref<768xf32, #tpu.memory_space<vmem>>, vector<16xf32>,
    %gather3A_203 = tpu.vector_load_idx %arg12[%get3A_192] : memref<1024xf32, #tpu.memory_space<vmem>>[vector<16xi32>], vector<16xf32>,
    %swap3A_204 = arith.constant 80 : index
    %swap3A_205 = tpu.vector_load %arg27[%swap3A_204] {strides = array<i32>} : memref<768xf32, #tpu.memory_space<vmem>>, vector<16xf32>,
    tpu.vector_store %arg27[%swap3A_204], %gather3A_203 {strides = array<i32>} : memref<768xf32, #tpu.memory_space<vmem>>, vector<16xf32>,
    %gather3A_206 = tpu.vector_load_idx %arg12[%get3A_196] : memref<1024xf32, #tpu.memory_space<vmem>>[vector<16xi32>], vector<16xf32>,
    %swap3A_207 = arith.constant 80 : index
    %swap3A_208 = tpu.vector_load %arg28[%swap3A_207] {strides = array<i32>} : memref<768xf32, #tpu.memory_space<vmem>>, vector<16xf32>,
    tpu.vector_store %arg28[%swap3A_207], %gather3A_206 {strides = array<i32>} : memref<768xf32, #tpu.memory_space<vmem>>, vector<16xf32>,
    %gather3A_209 = tpu.vector_load_idx %arg13[%get3A_192] : memref<1024xf32, #tpu.memory_space<vmem>>[vector<16xi32>], vector<16xf32>,
    %swap3A_210 = arith.constant 144 : index
    %swap3A_211 = tpu.vector_load %arg27[%swap3A_210] {strides = array<i32>} : memref<768xf32, #tpu.memory_space<vmem>>, vector<16xf32>,
    tpu.vector_store %arg27[%swap3A_210], %gather3A_209 {strides = array<i32>} : memref<768xf32, #tpu.memory_space<vmem>>, vector<16xf32>,
    %gather3A_212 = tpu.vector_load_idx %arg13[%get3A_196] : memref<1024xf32, #tpu.memory_space<vmem>>[vector<16xi32>], vector<16xf32>,
    %swap3A_213 = arith.constant 144 : index
    %swap3A_214 = tpu.vector_load %arg28[%swap3A_213] {strides = array<i32>} : memref<768xf32, #tpu.memory_space<vmem>>, vector<16xf32>,
    tpu.vector_store %arg28[%swap3A_213], %gather3A_212 {strides = array<i32>} : memref<768xf32, #tpu.memory_space<vmem>>, vector<16xf32>,
    %gather3A_215 = tpu.vector_load_idx %arg14[%get3A_192] : memref<1024xf32, #tpu.memory_space<vmem>>[vector<16xi32>], vector<16xf32>,
    %swap3A_216 = arith.constant 208 : index
    %swap3A_217 = tpu.vector_load %arg27[%swap3A_216] {strides = array<i32>} : memref<768xf32, #tpu.memory_space<vmem>>, vector<16xf32>,
    tpu.vector_store %arg27[%swap3A_216], %gather3A_215 {strides = array<i32>} : memref<768xf32, #tpu.memory_space<vmem>>, vector<16xf32>,
    %gather3A_218 = tpu.vector_load_idx %arg14[%get3A_196] : memref<1024xf32, #tpu.memory_space<vmem>>[vector<16xi32>], vector<16xf32>,
    %swap3A_219 = arith.constant 208 : index
    %swap3A_220 = tpu.vector_load %arg28[%swap3A_219] {strides = array<i32>} : memref<768xf32, #tpu.memory_space<vmem>>, vector<16xf32>,
    tpu.vector_store %arg28[%swap3A_219], %gather3A_218 {strides = array<i32>} : memref<768xf32, #tpu.memory_space<vmem>>, vector<16xf32>,
    %gather3A_221 = tpu.vector_load_idx %arg15[%get3A_192] : memref<1024xf32, #tpu.memory_space<vmem>>[vector<16xi32>], vector<16xf32>,
    %swap3A_222 = arith.constant 272 : index
    %swap3A_223 = tpu.vector_load %arg27[%swap3A_222] {strides = array<i32>} : memref<768xf32, #tpu.memory_space<vmem>>, vector<16xf32>,
    tpu.vector_store %arg27[%swap3A_222], %gather3A_221 {strides = array<i32>} : memref<768xf32, #tpu.memory_space<vmem>>, vector<16xf32>,
    %gather3A_224 = tpu.vector_load_idx %arg15[%get3A_196] : memref<1024xf32, #tpu.memory_space<vmem>>[vector<16xi32>], vector<16xf32>,
    %swap3A_225 = arith.constant 272 : index
    %swap3A_226 = tpu.vector_load %arg28[%swap3A_225] {strides = array<i32>} : memref<768xf32, #tpu.memory_space<vmem>>, vector<16xf32>,
    tpu.vector_store %arg28[%swap3A_225], %gather3A_224 {strides = array<i32>} : memref<768xf32, #tpu.memory_space<vmem>>, vector<16xf32>,
    %gather3A_227 = tpu.vector_load_idx %arg16[%get3A_192] : memref<1024xf32, #tpu.memory_space<vmem>>[vector<16xi32>], vector<16xf32>,
    %swap3A_228 = arith.constant 336 : index
    %swap3A_229 = tpu.vector_load %arg27[%swap3A_228] {strides = array<i32>} : memref<768xf32, #tpu.memory_space<vmem>>, vector<16xf32>,
    tpu.vector_store %arg27[%swap3A_228], %gather3A_227 {strides = array<i32>} : memref<768xf32, #tpu.memory_space<vmem>>, vector<16xf32>,
    %gather3A_230 = tpu.vector_load_idx %arg16[%get3A_196] : memref<1024xf32, #tpu.memory_space<vmem>>[vector<16xi32>], vector<16xf32>,
    %swap3A_231 = arith.constant 336 : index
    %swap3A_232 = tpu.vector_load %arg28[%swap3A_231] {strides = array<i32>} : memref<768xf32, #tpu.memory_space<vmem>>, vector<16xf32>,
    tpu.vector_store %arg28[%swap3A_231], %gather3A_230 {strides = array<i32>} : memref<768xf32, #tpu.memory_space<vmem>>, vector<16xf32>,
    %gather3A_233 = tpu.vector_load_idx %arg17[%get3A_192] : memref<1024xf32, #tpu.memory_space<vmem>>[vector<16xi32>], vector<16xf32>,
    %swap3A_234 = arith.constant 400 : index
    %swap3A_235 = tpu.vector_load %arg27[%swap3A_234] {strides = array<i32>} : memref<768xf32, #tpu.memory_space<vmem>>, vector<16xf32>,
    tpu.vector_store %arg27[%swap3A_234], %gather3A_233 {strides = array<i32>} : memref<768xf32, #tpu.memory_space<vmem>>, vector<16xf32>,
    %gather3A_236 = tpu.vector_load_idx %arg17[%get3A_196] : memref<1024xf32, #tpu.memory_space<vmem>>[vector<16xi32>], vector<16xf32>,
    %swap3A_237 = arith.constant 400 : index
    %swap3A_238 = tpu.vector_load %arg28[%swap3A_237] {strides = array<i32>} : memref<768xf32, #tpu.memory_space<vmem>>, vector<16xf32>,
    tpu.vector_store %arg28[%swap3A_237], %gather3A_236 {strides = array<i32>} : memref<768xf32, #tpu.memory_space<vmem>>, vector<16xf32>,
    %gather3A_239 = tpu.vector_load_idx %arg18[%get3A_192] : memref<1024xf32, #tpu.memory_space<vmem>>[vector<16xi32>], vector<16xf32>,
    %swap3A_240 = arith.constant 464 : index
    %swap3A_241 = tpu.vector_load %arg27[%swap3A_240] {strides = array<i32>} : memref<768xf32, #tpu.memory_space<vmem>>, vector<16xf32>,
    tpu.vector_store %arg27[%swap3A_240], %gather3A_239 {strides = array<i32>} : memref<768xf32, #tpu.memory_space<vmem>>, vector<16xf32>,
    %gather3A_242 = tpu.vector_load_idx %arg18[%get3A_196] : memref<1024xf32, #tpu.memory_space<vmem>>[vector<16xi32>], vector<16xf32>,
    %swap3A_243 = arith.constant 464 : index
    %swap3A_244 = tpu.vector_load %arg28[%swap3A_243] {strides = array<i32>} : memref<768xf32, #tpu.memory_space<vmem>>, vector<16xf32>,
    tpu.vector_store %arg28[%swap3A_243], %gather3A_242 {strides = array<i32>} : memref<768xf32, #tpu.memory_space<vmem>>, vector<16xf32>,
    %gather3A_245 = tpu.vector_load_idx %arg19[%get3A_192] : memref<1024xf32, #tpu.memory_space<vmem>>[vector<16xi32>], vector<16xf32>,
    %swap3A_246 = arith.constant 528 : index
    %swap3A_247 = tpu.vector_load %arg27[%swap3A_246] {strides = array<i32>} : memref<768xf32, #tpu.memory_space<vmem>>, vector<16xf32>,
    tpu.vector_store %arg27[%swap3A_246], %gather3A_245 {strides = array<i32>} : memref<768xf32, #tpu.memory_space<vmem>>, vector<16xf32>,
    %gather3A_248 = tpu.vector_load_idx %arg19[%get3A_196] : memref<1024xf32, #tpu.memory_space<vmem>>[vector<16xi32>], vector<16xf32>,
    %swap3A_249 = arith.constant 528 : index
    %swap3A_250 = tpu.vector_load %arg28[%swap3A_249] {strides = array<i32>} : memref<768xf32, #tpu.memory_space<vmem>>, vector<16xf32>,
    tpu.vector_store %arg28[%swap3A_249], %gather3A_248 {strides = array<i32>} : memref<768xf32, #tpu.memory_space<vmem>>, vector<16xf32>,
    %gather3A_251 = tpu.vector_load_idx %arg20[%get3A_192] : memref<1024xf32, #tpu.memory_space<vmem>>[vector<16xi32>], vector<16xf32>,
    %swap3A_252 = arith.constant 592 : index
    %swap3A_253 = tpu.vector_load %arg27[%swap3A_252] {strides = array<i32>} : memref<768xf32, #tpu.memory_space<vmem>>, vector<16xf32>,
    tpu.vector_store %arg27[%swap3A_252], %gather3A_251 {strides = array<i32>} : memref<768xf32, #tpu.memory_space<vmem>>, vector<16xf32>,
    %gather3A_254 = tpu.vector_load_idx %arg20[%get3A_196] : memref<1024xf32, #tpu.memory_space<vmem>>[vector<16xi32>], vector<16xf32>,
    %swap3A_255 = arith.constant 592 : index
    %swap3A_256 = tpu.vector_load %arg28[%swap3A_255] {strides = array<i32>} : memref<768xf32, #tpu.memory_space<vmem>>, vector<16xf32>,
    tpu.vector_store %arg28[%swap3A_255], %gather3A_254 {strides = array<i32>} : memref<768xf32, #tpu.memory_space<vmem>>, vector<16xf32>,
    %gather3A_257 = tpu.vector_load_idx %arg21[%get3A_192] : memref<1024xf32, #tpu.memory_space<vmem>>[vector<16xi32>], vector<16xf32>,
    %swap3A_258 = arith.constant 656 : index
    %swap3A_259 = tpu.vector_load %arg27[%swap3A_258] {strides = array<i32>} : memref<768xf32, #tpu.memory_space<vmem>>, vector<16xf32>,
    tpu.vector_store %arg27[%swap3A_258], %gather3A_257 {strides = array<i32>} : memref<768xf32, #tpu.memory_space<vmem>>, vector<16xf32>,
    %gather3A_260 = tpu.vector_load_idx %arg21[%get3A_196] : memref<1024xf32, #tpu.memory_space<vmem>>[vector<16xi32>], vector<16xf32>,
    %swap3A_261 = arith.constant 656 : index
    %swap3A_262 = tpu.vector_load %arg28[%swap3A_261] {strides = array<i32>} : memref<768xf32, #tpu.memory_space<vmem>>, vector<16xf32>,
    tpu.vector_store %arg28[%swap3A_261], %gather3A_260 {strides = array<i32>} : memref<768xf32, #tpu.memory_space<vmem>>, vector<16xf32>,
    %gather3A_263 = tpu.vector_load_idx %arg22[%get3A_192] : memref<1024xf32, #tpu.memory_space<vmem>>[vector<16xi32>], vector<16xf32>,
    %swap3A_264 = arith.constant 720 : index
    %swap3A_265 = tpu.vector_load %arg27[%swap3A_264] {strides = array<i32>} : memref<768xf32, #tpu.memory_space<vmem>>, vector<16xf32>,
    tpu.vector_store %arg27[%swap3A_264], %gather3A_263 {strides = array<i32>} : memref<768xf32, #tpu.memory_space<vmem>>, vector<16xf32>,
    %gather3A_266 = tpu.vector_load_idx %arg22[%get3A_196] : memref<1024xf32, #tpu.memory_space<vmem>>[vector<16xi32>], vector<16xf32>,
    %swap3A_267 = arith.constant 720 : index
    %swap3A_268 = tpu.vector_load %arg28[%swap3A_267] {strides = array<i32>} : memref<768xf32, #tpu.memory_space<vmem>>, vector<16xf32>,
    tpu.vector_store %arg28[%swap3A_267], %gather3A_266 {strides = array<i32>} : memref<768xf32, #tpu.memory_space<vmem>>, vector<16xf32>,
    %get3A_269 = arith.constant 0 : i32
    %get3A_270 = arith.index_cast %get3A_269 : i32 to index
    %get3A_271 = arith.constant 32 : index
    %get3A_272 = tpu.vector_load %arg25[%get3A_270, %get3A_271] {strides = array<i32>} : memref<1x64xi32, #tpu.memory_space<vmem>>, vector<16xi32>,
    %get3A_273 = arith.constant 0 : i32
    %get3A_274 = arith.index_cast %get3A_273 : i32 to index
    %get3A_275 = arith.constant 32 : index
    %get3A_276 = tpu.vector_load %arg26[%get3A_274, %get3A_275] {strides = array<i32>} : memref<1x64xi32, #tpu.memory_space<vmem>>, vector<16xi32>,
    %gather3A_277 = tpu.vector_load_idx %arg11[%get3A_272] : memref<1024xf32, #tpu.memory_space<vmem>>[vector<16xi32>], vector<16xf32>,
    %swap3A_278 = arith.constant 32 : index
    %swap3A_279 = tpu.vector_load %arg27[%swap3A_278] {strides = array<i32>} : memref<768xf32, #tpu.memory_space<vmem>>, vector<16xf32>,
    tpu.vector_store %arg27[%swap3A_278], %gather3A_277 {strides = array<i32>} : memref<768xf32, #tpu.memory_space<vmem>>, vector<16xf32>,
    %gather3A_280 = tpu.vector_load_idx %arg11[%get3A_276] : memref<1024xf32, #tpu.memory_space<vmem>>[vector<16xi32>], vector<16xf32>,
    %swap3A_281 = arith.constant 32 : index
    %swap3A_282 = tpu.vector_load %arg28[%swap3A_281] {strides = array<i32>} : memref<768xf32, #tpu.memory_space<vmem>>, vector<16xf32>,
    tpu.vector_store %arg28[%swap3A_281], %gather3A_280 {strides = array<i32>} : memref<768xf32, #tpu.memory_space<vmem>>, vector<16xf32>,
    %gather3A_283 = tpu.vector_load_idx %arg12[%get3A_272] : memref<1024xf32, #tpu.memory_space<vmem>>[vector<16xi32>], vector<16xf32>,
    %swap3A_284 = arith.constant 96 : index
    %swap3A_285 = tpu.vector_load %arg27[%swap3A_284] {strides = array<i32>} : memref<768xf32, #tpu.memory_space<vmem>>, vector<16xf32>,
    tpu.vector_store %arg27[%swap3A_284], %gather3A_283 {strides = array<i32>} : memref<768xf32, #tpu.memory_space<vmem>>, vector<16xf32>,
    %gather3A_286 = tpu.vector_load_idx %arg12[%get3A_276] : memref<1024xf32, #tpu.memory_space<vmem>>[vector<16xi32>], vector<16xf32>,
    %swap3A_287 = arith.constant 96 : index
    %swap3A_288 = tpu.vector_load %arg28[%swap3A_287] {strides = array<i32>} : memref<768xf32, #tpu.memory_space<vmem>>, vector<16xf32>,
    tpu.vector_store %arg28[%swap3A_287], %gather3A_286 {strides = array<i32>} : memref<768xf32, #tpu.memory_space<vmem>>, vector<16xf32>,
    %gather3A_289 = tpu.vector_load_idx %arg13[%get3A_272] : memref<1024xf32, #tpu.memory_space<vmem>>[vector<16xi32>], vector<16xf32>,
    %swap3A_290 = arith.constant 160 : index
    %swap3A_291 = tpu.vector_load %arg27[%swap3A_290] {strides = array<i32>} : memref<768xf32, #tpu.memory_space<vmem>>, vector<16xf32>,
    tpu.vector_store %arg27[%swap3A_290], %gather3A_289 {strides = array<i32>} : memref<768xf32, #tpu.memory_space<vmem>>, vector<16xf32>,
    %gather3A_292 = tpu.vector_load_idx %arg13[%get3A_276] : memref<1024xf32, #tpu.memory_space<vmem>>[vector<16xi32>], vector<16xf32>,
    %swap3A_293 = arith.constant 160 : index
    %swap3A_294 = tpu.vector_load %arg28[%swap3A_293] {strides = array<i32>} : memref<768xf32, #tpu.memory_space<vmem>>, vector<16xf32>,
    tpu.vector_store %arg28[%swap3A_293], %gather3A_292 {strides = array<i32>} : memref<768xf32, #tpu.memory_space<vmem>>, vector<16xf32>,
    %gather3A_295 = tpu.vector_load_idx %arg14[%get3A_272] : memref<1024xf32, #tpu.memory_space<vmem>>[vector<16xi32>], vector<16xf32>,
    %swap3A_296 = arith.constant 224 : index
    %swap3A_297 = tpu.vector_load %arg27[%swap3A_296] {strides = array<i32>} : memref<768xf32, #tpu.memory_space<vmem>>, vector<16xf32>,
    tpu.vector_store %arg27[%swap3A_296], %gather3A_295 {strides = array<i32>} : memref<768xf32, #tpu.memory_space<vmem>>, vector<16xf32>,
    %gather3A_298 = tpu.vector_load_idx %arg14[%get3A_276] : memref<1024xf32, #tpu.memory_space<vmem>>[vector<16xi32>], vector<16xf32>,
    %swap3A_299 = arith.constant 224 : index
    %swap3A_300 = tpu.vector_load %arg28[%swap3A_299] {strides = array<i32>} : memref<768xf32, #tpu.memory_space<vmem>>, vector<16xf32>,
    tpu.vector_store %arg28[%swap3A_299], %gather3A_298 {strides = array<i32>} : memref<768xf32, #tpu.memory_space<vmem>>, vector<16xf32>,
    %gather3A_301 = tpu.vector_load_idx %arg15[%get3A_272] : memref<1024xf32, #tpu.memory_space<vmem>>[vector<16xi32>], vector<16xf32>,
    %swap3A_302 = arith.constant 288 : index
    %swap3A_303 = tpu.vector_load %arg27[%swap3A_302] {strides = array<i32>} : memref<768xf32, #tpu.memory_space<vmem>>, vector<16xf32>,
    tpu.vector_store %arg27[%swap3A_302], %gather3A_301 {strides = array<i32>} : memref<768xf32, #tpu.memory_space<vmem>>, vector<16xf32>,
    %gather3A_304 = tpu.vector_load_idx %arg15[%get3A_276] : memref<1024xf32, #tpu.memory_space<vmem>>[vector<16xi32>], vector<16xf32>,
    %swap3A_305 = arith.constant 288 : index
    %swap3A_306 = tpu.vector_load %arg28[%swap3A_305] {strides = array<i32>} : memref<768xf32, #tpu.memory_space<vmem>>, vector<16xf32>,
    tpu.vector_store %arg28[%swap3A_305], %gather3A_304 {strides = array<i32>} : memref<768xf32, #tpu.memory_space<vmem>>, vector<16xf32>,
    %gather3A_307 = tpu.vector_load_idx %arg16[%get3A_272] : memref<1024xf32, #tpu.memory_space<vmem>>[vector<16xi32>], vector<16xf32>,
    %swap3A_308 = arith.constant 352 : index
    %swap3A_309 = tpu.vector_load %arg27[%swap3A_308] {strides = array<i32>} : memref<768xf32, #tpu.memory_space<vmem>>, vector<16xf32>,
    tpu.vector_store %arg27[%swap3A_308], %gather3A_307 {strides = array<i32>} : memref<768xf32, #tpu.memory_space<vmem>>, vector<16xf32>,
    %gather3A_310 = tpu.vector_load_idx %arg16[%get3A_276] : memref<1024xf32, #tpu.memory_space<vmem>>[vector<16xi32>], vector<16xf32>,
    %swap3A_311 = arith.constant 352 : index
    %swap3A_312 = tpu.vector_load %arg28[%swap3A_311] {strides = array<i32>} : memref<768xf32, #tpu.memory_space<vmem>>, vector<16xf32>,
    tpu.vector_store %arg28[%swap3A_311], %gather3A_310 {strides = array<i32>} : memref<768xf32, #tpu.memory_space<vmem>>, vector<16xf32>,
    %gather3A_313 = tpu.vector_load_idx %arg17[%get3A_272] : memref<1024xf32, #tpu.memory_space<vmem>>[vector<16xi32>], vector<16xf32>,
    %swap3A_314 = arith.constant 416 : index
    %swap3A_315 = tpu.vector_load %arg27[%swap3A_314] {strides = array<i32>} : memref<768xf32, #tpu.memory_space<vmem>>, vector<16xf32>,
    tpu.vector_store %arg27[%swap3A_314], %gather3A_313 {strides = array<i32>} : memref<768xf32, #tpu.memory_space<vmem>>, vector<16xf32>,
    %gather3A_316 = tpu.vector_load_idx %arg17[%get3A_276] : memref<1024xf32, #tpu.memory_space<vmem>>[vector<16xi32>], vector<16xf32>,
    %swap3A_317 = arith.constant 416 : index
    %swap3A_318 = tpu.vector_load %arg28[%swap3A_317] {strides = array<i32>} : memref<768xf32, #tpu.memory_space<vmem>>, vector<16xf32>,
    tpu.vector_store %arg28[%swap3A_317], %gather3A_316 {strides = array<i32>} : memref<768xf32, #tpu.memory_space<vmem>>, vector<16xf32>,
    %gather3A_319 = tpu.vector_load_idx %arg18[%get3A_272] : memref<1024xf32, #tpu.memory_space<vmem>>[vector<16xi32>], vector<16xf32>,
    %swap3A_320 = arith.constant 480 : index
    %swap3A_321 = tpu.vector_load %arg27[%swap3A_320] {strides = array<i32>} : memref<768xf32, #tpu.memory_space<vmem>>, vector<16xf32>,
    tpu.vector_store %arg27[%swap3A_320], %gather3A_319 {strides = array<i32>} : memref<768xf32, #tpu.memory_space<vmem>>, vector<16xf32>,
    %gather3A_322 = tpu.vector_load_idx %arg18[%get3A_276] : memref<1024xf32, #tpu.memory_space<vmem>>[vector<16xi32>], vector<16xf32>,
    %swap3A_323 = arith.constant 480 : index
    %swap3A_324 = tpu.vector_load %arg28[%swap3A_323] {strides = array<i32>} : memref<768xf32, #tpu.memory_space<vmem>>, vector<16xf32>,
    tpu.vector_store %arg28[%swap3A_323], %gather3A_322 {strides = array<i32>} : memref<768xf32, #tpu.memory_space<vmem>>, vector<16xf32>,
    %gather3A_325 = tpu.vector_load_idx %arg19[%get3A_272] : memref<1024xf32, #tpu.memory_space<vmem>>[vector<16xi32>], vector<16xf32>,
    %swap3A_326 = arith.constant 544 : index
    %swap3A_327 = tpu.vector_load %arg27[%swap3A_326] {strides = array<i32>} : memref<768xf32, #tpu.memory_space<vmem>>, vector<16xf32>,
    tpu.vector_store %arg27[%swap3A_326], %gather3A_325 {strides = array<i32>} : memref<768xf32, #tpu.memory_space<vmem>>, vector<16xf32>,
    %gather3A_328 = tpu.vector_load_idx %arg19[%get3A_276] : memref<1024xf32, #tpu.memory_space<vmem>>[vector<16xi32>], vector<16xf32>,
    %swap3A_329 = arith.constant 544 : index
    %swap3A_330 = tpu.vector_load %arg28[%swap3A_329] {strides = array<i32>} : memref<768xf32, #tpu.memory_space<vmem>>, vector<16xf32>,
    tpu.vector_store %arg28[%swap3A_329], %gather3A_328 {strides = array<i32>} : memref<768xf32, #tpu.memory_space<vmem>>, vector<16xf32>,
    %gather3A_331 = tpu.vector_load_idx %arg20[%get3A_272] : memref<1024xf32, #tpu.memory_space<vmem>>[vector<16xi32>], vector<16xf32>,
    %swap3A_332 = arith.constant 608 : index
    %swap3A_333 = tpu.vector_load %arg27[%swap3A_332] {strides = array<i32>} : memref<768xf32, #tpu.memory_space<vmem>>, vector<16xf32>,
    tpu.vector_store %arg27[%swap3A_332], %gather3A_331 {strides = array<i32>} : memref<768xf32, #tpu.memory_space<vmem>>, vector<16xf32>,
    %gather3A_334 = tpu.vector_load_idx %arg20[%get3A_276] : memref<1024xf32, #tpu.memory_space<vmem>>[vector<16xi32>], vector<16xf32>,
    %swap3A_335 = arith.constant 608 : index
    %swap3A_336 = tpu.vector_load %arg28[%swap3A_335] {strides = array<i32>} : memref<768xf32, #tpu.memory_space<vmem>>, vector<16xf32>,
    tpu.vector_store %arg28[%swap3A_335], %gather3A_334 {strides = array<i32>} : memref<768xf32, #tpu.memory_space<vmem>>, vector<16xf32>,
    %gather3A_337 = tpu.vector_load_idx %arg21[%get3A_272] : memref<1024xf32, #tpu.memory_space<vmem>>[vector<16xi32>], vector<16xf32>,
    %swap3A_338 = arith.constant 672 : index
    %swap3A_339 = tpu.vector_load %arg27[%swap3A_338] {strides = array<i32>} : memref<768xf32, #tpu.memory_space<vmem>>, vector<16xf32>,
    tpu.vector_store %arg27[%swap3A_338], %gather3A_337 {strides = array<i32>} : memref<768xf32, #tpu.memory_space<vmem>>, vector<16xf32>,
    %gather3A_340 = tpu.vector_load_idx %arg21[%get3A_276] : memref<1024xf32, #tpu.memory_space<vmem>>[vector<16xi32>], vector<16xf32>,
    %swap3A_341 = arith.constant 672 : index
    %swap3A_342 = tpu.vector_load %arg28[%swap3A_341] {strides = array<i32>} : memref<768xf32, #tpu.memory_space<vmem>>, vector<16xf32>,
    tpu.vector_store %arg28[%swap3A_341], %gather3A_340 {strides = array<i32>} : memref<768xf32, #tpu.memory_space<vmem>>, vector<16xf32>,
    %gather3A_343 = tpu.vector_load_idx %arg22[%get3A_272] : memref<1024xf32, #tpu.memory_space<vmem>>[vector<16xi32>], vector<16xf32>,
    %swap3A_344 = arith.constant 736 : index
    %swap3A_345 = tpu.vector_load %arg27[%swap3A_344] {strides = array<i32>} : memref<768xf32, #tpu.memory_space<vmem>>, vector<16xf32>,
    tpu.vector_store %arg27[%swap3A_344], %gather3A_343 {strides = array<i32>} : memref<768xf32, #tpu.memory_space<vmem>>, vector<16xf32>,
    %gather3A_346 = tpu.vector_load_idx %arg22[%get3A_276] : memref<1024xf32, #tpu.memory_space<vmem>>[vector<16xi32>], vector<16xf32>,
    %swap3A_347 = arith.constant 736 : index
    %swap3A_348 = tpu.vector_load %arg28[%swap3A_347] {strides = array<i32>} : memref<768xf32, #tpu.memory_space<vmem>>, vector<16xf32>,
    tpu.vector_store %arg28[%swap3A_347], %gather3A_346 {strides = array<i32>} : memref<768xf32, #tpu.memory_space<vmem>>, vector<16xf32>,
    %get3A_349 = arith.constant 0 : i32
    %get3A_350 = arith.index_cast %get3A_349 : i32 to index
    %get3A_351 = arith.constant 48 : index
    %get3A_352 = tpu.vector_load %arg25[%get3A_350, %get3A_351] {strides = array<i32>} : memref<1x64xi32, #tpu.memory_space<vmem>>, vector<16xi32>,
    %get3A_353 = arith.constant 0 : i32
    %get3A_354 = arith.index_cast %get3A_353 : i32 to index
    %get3A_355 = arith.constant 48 : index
    %get3A_356 = tpu.vector_load %arg26[%get3A_354, %get3A_355] {strides = array<i32>} : memref<1x64xi32, #tpu.memory_space<vmem>>, vector<16xi32>,
    %gather3A_357 = tpu.vector_load_idx %arg11[%get3A_352] : memref<1024xf32, #tpu.memory_space<vmem>>[vector<16xi32>], vector<16xf32>,
    %swap3A_358 = arith.constant 48 : index
    %swap3A_359 = tpu.vector_load %arg27[%swap3A_358] {strides = array<i32>} : memref<768xf32, #tpu.memory_space<vmem>>, vector<16xf32>,
    tpu.vector_store %arg27[%swap3A_358], %gather3A_357 {strides = array<i32>} : memref<768xf32, #tpu.memory_space<vmem>>, vector<16xf32>,
    %gather3A_360 = tpu.vector_load_idx %arg11[%get3A_356] : memref<1024xf32, #tpu.memory_space<vmem>>[vector<16xi32>], vector<16xf32>,
    %swap3A_361 = arith.constant 48 : index
    %swap3A_362 = tpu.vector_load %arg28[%swap3A_361] {strides = array<i32>} : memref<768xf32, #tpu.memory_space<vmem>>, vector<16xf32>,
    tpu.vector_store %arg28[%swap3A_361], %gather3A_360 {strides = array<i32>} : memref<768xf32, #tpu.memory_space<vmem>>, vector<16xf32>,
    %gather3A_363 = tpu.vector_load_idx %arg12[%get3A_352] : memref<1024xf32, #tpu.memory_space<vmem>>[vector<16xi32>], vector<16xf32>,
    %swap3A_364 = arith.constant 112 : index
    %swap3A_365 = tpu.vector_load %arg27[%swap3A_364] {strides = array<i32>} : memref<768xf32, #tpu.memory_space<vmem>>, vector<16xf32>,
    tpu.vector_store %arg27[%swap3A_364], %gather3A_363 {strides = array<i32>} : memref<768xf32, #tpu.memory_space<vmem>>, vector<16xf32>,
    %gather3A_366 = tpu.vector_load_idx %arg12[%get3A_356] : memref<1024xf32, #tpu.memory_space<vmem>>[vector<16xi32>], vector<16xf32>,
    %swap3A_367 = arith.constant 112 : index
    %swap3A_368 = tpu.vector_load %arg28[%swap3A_367] {strides = array<i32>} : memref<768xf32, #tpu.memory_space<vmem>>, vector<16xf32>,
    tpu.vector_store %arg28[%swap3A_367], %gather3A_366 {strides = array<i32>} : memref<768xf32, #tpu.memory_space<vmem>>, vector<16xf32>,
    %gather3A_369 = tpu.vector_load_idx %arg13[%get3A_352] : memref<1024xf32, #tpu.memory_space<vmem>>[vector<16xi32>], vector<16xf32>,
    %swap3A_370 = arith.constant 176 : index
    %swap3A_371 = tpu.vector_load %arg27[%swap3A_370] {strides = array<i32>} : memref<768xf32, #tpu.memory_space<vmem>>, vector<16xf32>,
    tpu.vector_store %arg27[%swap3A_370], %gather3A_369 {strides = array<i32>} : memref<768xf32, #tpu.memory_space<vmem>>, vector<16xf32>,
    %gather3A_372 = tpu.vector_load_idx %arg13[%get3A_356] : memref<1024xf32, #tpu.memory_space<vmem>>[vector<16xi32>], vector<16xf32>,
    %swap3A_373 = arith.constant 176 : index
    %swap3A_374 = tpu.vector_load %arg28[%swap3A_373] {strides = array<i32>} : memref<768xf32, #tpu.memory_space<vmem>>, vector<16xf32>,
    tpu.vector_store %arg28[%swap3A_373], %gather3A_372 {strides = array<i32>} : memref<768xf32, #tpu.memory_space<vmem>>, vector<16xf32>,
    %gather3A_375 = tpu.vector_load_idx %arg14[%get3A_352] : memref<1024xf32, #tpu.memory_space<vmem>>[vector<16xi32>], vector<16xf32>,
    %swap3A_376 = arith.constant 240 : index
    %swap3A_377 = tpu.vector_load %arg27[%swap3A_376] {strides = array<i32>} : memref<768xf32, #tpu.memory_space<vmem>>, vector<16xf32>,
    tpu.vector_store %arg27[%swap3A_376], %gather3A_375 {strides = array<i32>} : memref<768xf32, #tpu.memory_space<vmem>>, vector<16xf32>,
    %gather3A_378 = tpu.vector_load_idx %arg14[%get3A_356] : memref<1024xf32, #tpu.memory_space<vmem>>[vector<16xi32>], vector<16xf32>,
    %swap3A_379 = arith.constant 240 : index
    %swap3A_380 = tpu.vector_load %arg28[%swap3A_379] {strides = array<i32>} : memref<768xf32, #tpu.memory_space<vmem>>, vector<16xf32>,
    tpu.vector_store %arg28[%swap3A_379], %gather3A_378 {strides = array<i32>} : memref<768xf32, #tpu.memory_space<vmem>>, vector<16xf32>,
    %gather3A_381 = tpu.vector_load_idx %arg15[%get3A_352] : memref<1024xf32, #tpu.memory_space<vmem>>[vector<16xi32>], vector<16xf32>,
    %swap3A_382 = arith.constant 304 : index
    %swap3A_383 = tpu.vector_load %arg27[%swap3A_382] {strides = array<i32>} : memref<768xf32, #tpu.memory_space<vmem>>, vector<16xf32>,
    tpu.vector_store %arg27[%swap3A_382], %gather3A_381 {strides = array<i32>} : memref<768xf32, #tpu.memory_space<vmem>>, vector<16xf32>,
    %gather3A_384 = tpu.vector_load_idx %arg15[%get3A_356] : memref<1024xf32, #tpu.memory_space<vmem>>[vector<16xi32>], vector<16xf32>,
    %swap3A_385 = arith.constant 304 : index
    %swap3A_386 = tpu.vector_load %arg28[%swap3A_385] {strides = array<i32>} : memref<768xf32, #tpu.memory_space<vmem>>, vector<16xf32>,
    tpu.vector_store %arg28[%swap3A_385], %gather3A_384 {strides = array<i32>} : memref<768xf32, #tpu.memory_space<vmem>>, vector<16xf32>,
    %gather3A_387 = tpu.vector_load_idx %arg16[%get3A_352] : memref<1024xf32, #tpu.memory_space<vmem>>[vector<16xi32>], vector<16xf32>,
    %swap3A_388 = arith.constant 368 : index
    %swap3A_389 = tpu.vector_load %arg27[%swap3A_388] {strides = array<i32>} : memref<768xf32, #tpu.memory_space<vmem>>, vector<16xf32>,
    tpu.vector_store %arg27[%swap3A_388], %gather3A_387 {strides = array<i32>} : memref<768xf32, #tpu.memory_space<vmem>>, vector<16xf32>,
    %gather3A_390 = tpu.vector_load_idx %arg16[%get3A_356] : memref<1024xf32, #tpu.memory_space<vmem>>[vector<16xi32>], vector<16xf32>,
    %swap3A_391 = arith.constant 368 : index
    %swap3A_392 = tpu.vector_load %arg28[%swap3A_391] {strides = array<i32>} : memref<768xf32, #tpu.memory_space<vmem>>, vector<16xf32>,
    tpu.vector_store %arg28[%swap3A_391], %gather3A_390 {strides = array<i32>} : memref<768xf32, #tpu.memory_space<vmem>>, vector<16xf32>,
    %gather3A_393 = tpu.vector_load_idx %arg17[%get3A_352] : memref<1024xf32, #tpu.memory_space<vmem>>[vector<16xi32>], vector<16xf32>,
    %swap3A_394 = arith.constant 432 : index
    %swap3A_395 = tpu.vector_load %arg27[%swap3A_394] {strides = array<i32>} : memref<768xf32, #tpu.memory_space<vmem>>, vector<16xf32>,
    tpu.vector_store %arg27[%swap3A_394], %gather3A_393 {strides = array<i32>} : memref<768xf32, #tpu.memory_space<vmem>>, vector<16xf32>,
    %gather3A_396 = tpu.vector_load_idx %arg17[%get3A_356] : memref<1024xf32, #tpu.memory_space<vmem>>[vector<16xi32>], vector<16xf32>,
    %swap3A_397 = arith.constant 432 : index
    %swap3A_398 = tpu.vector_load %arg28[%swap3A_397] {strides = array<i32>} : memref<768xf32, #tpu.memory_space<vmem>>, vector<16xf32>,
    tpu.vector_store %arg28[%swap3A_397], %gather3A_396 {strides = array<i32>} : memref<768xf32, #tpu.memory_space<vmem>>, vector<16xf32>,
    %gather3A_399 = tpu.vector_load_idx %arg18[%get3A_352] : memref<1024xf32, #tpu.memory_space<vmem>>[vector<16xi32>], vector<16xf32>,
    %swap3A_400 = arith.constant 496 : index
    %swap3A_401 = tpu.vector_load %arg27[%swap3A_400] {strides = array<i32>} : memref<768xf32, #tpu.memory_space<vmem>>, vector<16xf32>,
    tpu.vector_store %arg27[%swap3A_400], %gather3A_399 {strides = array<i32>} : memref<768xf32, #tpu.memory_space<vmem>>, vector<16xf32>,
    %gather3A_402 = tpu.vector_load_idx %arg18[%get3A_356] : memref<1024xf32, #tpu.memory_space<vmem>>[vector<16xi32>], vector<16xf32>,
    %swap3A_403 = arith.constant 496 : index
    %swap3A_404 = tpu.vector_load %arg28[%swap3A_403] {strides = array<i32>} : memref<768xf32, #tpu.memory_space<vmem>>, vector<16xf32>,
    tpu.vector_store %arg28[%swap3A_403], %gather3A_402 {strides = array<i32>} : memref<768xf32, #tpu.memory_space<vmem>>, vector<16xf32>,
    %gather3A_405 = tpu.vector_load_idx %arg19[%get3A_352] : memref<1024xf32, #tpu.memory_space<vmem>>[vector<16xi32>], vector<16xf32>,
    %swap3A_406 = arith.constant 560 : index
    %swap3A_407 = tpu.vector_load %arg27[%swap3A_406] {strides = array<i32>} : memref<768xf32, #tpu.memory_space<vmem>>, vector<16xf32>,
    tpu.vector_store %arg27[%swap3A_406], %gather3A_405 {strides = array<i32>} : memref<768xf32, #tpu.memory_space<vmem>>, vector<16xf32>,
    %gather3A_408 = tpu.vector_load_idx %arg19[%get3A_356] : memref<1024xf32, #tpu.memory_space<vmem>>[vector<16xi32>], vector<16xf32>,
    %swap3A_409 = arith.constant 560 : index
    %swap3A_410 = tpu.vector_load %arg28[%swap3A_409] {strides = array<i32>} : memref<768xf32, #tpu.memory_space<vmem>>, vector<16xf32>,
    tpu.vector_store %arg28[%swap3A_409], %gather3A_408 {strides = array<i32>} : memref<768xf32, #tpu.memory_space<vmem>>, vector<16xf32>,
    %gather3A_411 = tpu.vector_load_idx %arg20[%get3A_352] : memref<1024xf32, #tpu.memory_space<vmem>>[vector<16xi32>], vector<16xf32>,
    %swap3A_412 = arith.constant 624 : index
    %swap3A_413 = tpu.vector_load %arg27[%swap3A_412] {strides = array<i32>} : memref<768xf32, #tpu.memory_space<vmem>>, vector<16xf32>,
    tpu.vector_store %arg27[%swap3A_412], %gather3A_411 {strides = array<i32>} : memref<768xf32, #tpu.memory_space<vmem>>, vector<16xf32>,
    %gather3A_414 = tpu.vector_load_idx %arg20[%get3A_356] : memref<1024xf32, #tpu.memory_space<vmem>>[vector<16xi32>], vector<16xf32>,
    %swap3A_415 = arith.constant 624 : index
    %swap3A_416 = tpu.vector_load %arg28[%swap3A_415] {strides = array<i32>} : memref<768xf32, #tpu.memory_space<vmem>>, vector<16xf32>,
    tpu.vector_store %arg28[%swap3A_415], %gather3A_414 {strides = array<i32>} : memref<768xf32, #tpu.memory_space<vmem>>, vector<16xf32>,
    %gather3A_417 = tpu.vector_load_idx %arg21[%get3A_352] : memref<1024xf32, #tpu.memory_space<vmem>>[vector<16xi32>], vector<16xf32>,
    %swap3A_418 = arith.constant 688 : index
    %swap3A_419 = tpu.vector_load %arg27[%swap3A_418] {strides = array<i32>} : memref<768xf32, #tpu.memory_space<vmem>>, vector<16xf32>,
    tpu.vector_store %arg27[%swap3A_418], %gather3A_417 {strides = array<i32>} : memref<768xf32, #tpu.memory_space<vmem>>, vector<16xf32>,
    %gather3A_420 = tpu.vector_load_idx %arg21[%get3A_356] : memref<1024xf32, #tpu.memory_space<vmem>>[vector<16xi32>], vector<16xf32>,
    %swap3A_421 = arith.constant 688 : index
    %swap3A_422 = tpu.vector_load %arg28[%swap3A_421] {strides = array<i32>} : memref<768xf32, #tpu.memory_space<vmem>>, vector<16xf32>,
    tpu.vector_store %arg28[%swap3A_421], %gather3A_420 {strides = array<i32>} : memref<768xf32, #tpu.memory_space<vmem>>, vector<16xf32>,
    %gather3A_423 = tpu.vector_load_idx %arg22[%get3A_352] : memref<1024xf32, #tpu.memory_space<vmem>>[vector<16xi32>], vector<16xf32>,
    %swap3A_424 = arith.constant 752 : index
    %swap3A_425 = tpu.vector_load %arg27[%swap3A_424] {strides = array<i32>} : memref<768xf32, #tpu.memory_space<vmem>>, vector<16xf32>,
    tpu.vector_store %arg27[%swap3A_424], %gather3A_423 {strides = array<i32>} : memref<768xf32, #tpu.memory_space<vmem>>, vector<16xf32>,
    %gather3A_426 = tpu.vector_load_idx %arg22[%get3A_356] : memref<1024xf32, #tpu.memory_space<vmem>>[vector<16xi32>], vector<16xf32>,
    %swap3A_427 = arith.constant 752 : index
    %swap3A_428 = tpu.vector_load %arg28[%swap3A_427] {strides = array<i32>} : memref<768xf32, #tpu.memory_space<vmem>>, vector<16xf32>,
    tpu.vector_store %arg28[%swap3A_427], %gather3A_426 {strides = array<i32>} : memref<768xf32, #tpu.memory_space<vmem>>, vector<16xf32>,
    %mul3A_429 = arith.constant 12 : i32
    %mul3A_430 = arith.muli %add3A, %mul3A_429 : i32
    %mul3A_431 = arith.constant 64 : i32
    %mul3A_432 = arith.muli %mul3A_430, %mul3A_431 : i32
    "tpu.region"() ({
      %run_scoped3A = tpu.sem_alloc : memref<!tpu.dma_semaphore, #tpu.memory_space<semaphore_mem>>
      %dma_start3A_437 = tpu.memref_slice %arg6[%mul3A_432] : memref<24576xf32, #tpu.memory_space<hbm>> -> memref<768xf32, #tpu.memory_space<hbm>>
      %dma_start3A_438 = tpu.memref_slice %arg6[%mul3A_432] : memref<24576xf32, #tpu.memory_space<hbm>> -> memref<768xf32, #tpu.memory_space<hbm>>
      tpu.enqueue_dma source(%arg27 : memref<768xf32, #tpu.memory_space<vmem>>) target(%dma_start3A_438 : memref<768xf32, #tpu.memory_space<hbm>>) target_semaphore(%run_scoped3A : memref<!tpu.dma_semaphore, #tpu.memory_space<semaphore_mem>>)
      %dma_wait3A = tpu.memref_slice %arg6[%mul3A_432] : memref<24576xf32, #tpu.memory_space<hbm>> -> memref<768xf32, #tpu.memory_space<hbm>>
      %dma_wait3A_439 = tpu.memref_slice %arg6[%mul3A_432] : memref<24576xf32, #tpu.memory_space<hbm>> -> memref<768xf32, #tpu.memory_space<hbm>>
      tpu.wait_dma2 semaphore(%run_scoped3A : memref<!tpu.dma_semaphore, #tpu.memory_space<semaphore_mem>>) src(%arg27 : memref<768xf32, #tpu.memory_space<vmem>>) dst(%dma_wait3A_439 : memref<768xf32, #tpu.memory_space<hbm>>)
      tpu.yield
    }) : () -> ()
    %mul3A_433 = arith.constant 12 : i32
    %mul3A_434 = arith.muli %add3A, %mul3A_433 : i32
    %mul3A_435 = arith.constant 64 : i32
    %mul3A_436 = arith.muli %mul3A_434, %mul3A_435 : i32
    "tpu.region"() ({
      %run_scoped3A = tpu.sem_alloc : memref<!tpu.dma_semaphore, #tpu.memory_space<semaphore_mem>>
      %dma_start3A_437 = tpu.memref_slice %arg7[%mul3A_436] : memref<24576xf32, #tpu.memory_space<hbm>> -> memref<768xf32, #tpu.memory_space<hbm>>
      %dma_start3A_438 = tpu.memref_slice %arg7[%mul3A_436] : memref<24576xf32, #tpu.memory_space<hbm>> -> memref<768xf32, #tpu.memory_space<hbm>>
      tpu.enqueue_dma source(%arg28 : memref<768xf32, #tpu.memory_space<vmem>>) target(%dma_start3A_438 : memref<768xf32, #tpu.memory_space<hbm>>) target_semaphore(%run_scoped3A : memref<!tpu.dma_semaphore, #tpu.memory_space<semaphore_mem>>)
      %dma_wait3A = tpu.memref_slice %arg7[%mul3A_436] : memref<24576xf32, #tpu.memory_space<hbm>> -> memref<768xf32, #tpu.memory_space<hbm>>
      %dma_wait3A_439 = tpu.memref_slice %arg7[%mul3A_436] : memref<24576xf32, #tpu.memory_space<hbm>> -> memref<768xf32, #tpu.memory_space<hbm>>
      tpu.wait_dma2 semaphore(%run_scoped3A : memref<!tpu.dma_semaphore, #tpu.memory_space<semaphore_mem>>) src(%arg28 : memref<768xf32, #tpu.memory_space<vmem>>) dst(%dma_wait3A_439 : memref<768xf32, #tpu.memory_space<hbm>>)
      tpu.yield
    }) : () -> ()
    return
  }
}

</mosaic_0001>

<sc_bundles>
// kernel: _superpixel_pool.3.cloned.1.call-start
scs
__scs_entry_jumppad:
0x0: {  	(pc) =	sbr.rel $0x88, $3  }
0x1: {  	(tag) =	ssettag $0x0;
	lr =	simm.s32 $0x1  }
0x2: {  	[smem:$0x3F9D] =	sst lr;
	_ =	strace $0xD0000000  }
0x3: {  	_ = 	snop  }
0x4: {  	_ = 	snop  }
0x5: {  	_ = 	snop  }
0x6: {  	_ = 	snop  }
0x7: {  	_ = 	snop  }
__scs_overlays_trampoline_lowered:
0x8: {  	[smem:$0x3FAC] =	sst s0  }
0x9: {  	[smem:$0x3FAD] =	sst s1  }
0xa: {  	[smem:$0x3FAE] =	sst s2  }
0xb: {  	[smem:$0x3FAF] =	sst s3  }
0xc: {  	[smem:$0x3FB0] =	sst s4  }
0xd: {  	[smem:$0x3FB1] =	sst s5  }
0xe: {  	[smem:$0x3FB2] =	sst s6  }
0xf: {  	[smem:$0x3FB3] =	sst s7  }
0x10: {  	[smem:$0x3FB4] =	sst s8  }
0x11: {  	[smem:$0x3FB5] =	sst s9;
	s0 =	simm.s32 @!p0 $0x0  }
0x12: {  	s1 =	sld [smem:$0x3F9B];
	s0 =	simm.s32 @p0 $0x1  }
0x13: {  	[smem:$0x3FB6] =	sst s0;
	s0 =	simm.s32 @!p1 $0x0  }
0x14: {  	s2 =	sld [smem:$0x3F9A];
	s0 =	simm.s32 @p1 $0x1  }
0x15: {  	[smem:$0x3FB7] =	sst s0;
	s0 =	simm.s32 @!p2 $0x0  }
0x16: {  	s3 =	sld [smem:$0x3FDB];
	s0 =	simm.s32 @p2 $0x1  }
0x17: {  	s4 =	simm.s32 $0x1BF5;
	[smem:$0x3FB9] =	sst s0  }
0x18: {  	s0 =	sld [smem:$0x3F9C];
	_ =	swait.ge [sflag:s4], $0x0  }
0x19: {  	s7 =	sld [smem:$0x3F9D]  }
0x1a: {  	s8 =	sadd.s32 $0xFFFFE003, lr  }
0x1b: {  	s9 =	sadd.s32 $0xFFFFFEF7, lr;
	s5 =	simm.s32 $0xFFFFFFFF;
	p2 =	slt.u32 s8, $0xFFFFF086  }
0x1c: {  	p1 =	slt.u32 s9, $0xF7A;
	s5 =	simm.s32 @!p2 $0x0  }
0x1d: {  	s5 =	simm.s32 @p1 $0x1;
	p0 =	seq.s32 s7, s2  }
0x1e: {  	s7 =	smul.u32 @!p0 $0xF7A, s2;
	p2 =	seq.s32 @!p0 s5, $0x0  }
0x1f: {  	s9 =	smul.u32 $0xF7A, s1;
	s8 =	simm.s32 @!p0 $0x1BF5;
	p2 =	por !p2, p0  }
0x20: {  	[sflag:s8] =	ssyncset.s32 @!p0 $0xFFFFF086;
	s6 =	sadd.s32 @!p0 s3, s7;
	s7 =	simm.s32 @!p0 $0x108  }
0x21: {  	s3 =	sadd.s32 s3, s9;
	s6 =	sadd.s32 @!p0 $0x88, s6;
	s7 =	simm.s32 @p2 $0x1082  }
0x22: {  	[simem:s7], [sflag:s8] =	dma.local @!p0 [hbm:s6], $0xF7A  }
0x23: {  	s9 =	sor.u32 $0xD0000000, s2;
	s6 =	simm.s32 $0x108;
	_ =	swait.ge @!p0 [sflag:s8], $0x0  }
0x24: {  	s3 =	sadd.s32 $0x88, s3;
	s6 =	simm.s32 @!p1 $0x1082;
	[sflag:s4] =	ssyncset.s32 $0xFFFFF086  }
0x25: {  	[simem:s6], [sflag:s4] =	dma.local [hbm:s3], $0xF7A  }
0x26: {  	[smem:$0x3F9D] =	sst s1;
	(tag) =	ssettag s2;
	_ =	strace s9  }
0x27: {  	s1 =	sld [smem:$0x3FAD]  }
0x28: {  	s2 =	sld [smem:$0x3FAE]  }
0x29: {  	s4 =	sld [smem:$0x3FB0]  }
0x2a: {  	p0 =	seq.s32 s5, $0x0;
	s5 =	sld [smem:$0x3FB1]  }
0x2b: {  	s6 =	sld [smem:$0x3FB2]  }
0x2c: {  	s7 =	sld [smem:$0x3FB3]  }
0x2d: {  	s3 =	simm.s32 $0x108;
	s8 =	sld [smem:$0x3FB4]  }
0x2e: {  	s3 =	simm.s32 @!p0 $0x1082;
	s9 =	sld [smem:$0x3FB5]  }
0x2f: {  	lr =	sadd.s32 s0, s3;
	s0 =	sld [smem:$0x3FAC]  }
0x30: {  	s3 =	sld [smem:$0x3FAF]  }
0x31: {  	[smem:$0x3FB8] =	sst s10  }
0x32: {  	s10 =	sld [smem:$0x3FB6];
	_ =	sdelay $0x3  }
0x33: {  	p0 =	seq.s32 s10, $0x1;
	s10 =	sld [smem:$0x3FB8];
	_ =	sdelay $0x3  }
0x34: {  	[smem:$0x3FB8] =	sst s10  }
0x35: {  	s10 =	sld [smem:$0x3FB7];
	_ =	sdelay $0x3  }
0x36: {  	p1 =	seq.s32 s10, $0x1;
	s10 =	sld [smem:$0x3FB8];
	_ =	sdelay $0x3  }
0x37: {  	[smem:$0x3FB8] =	sst s10  }
0x38: {  	s10 =	sld [smem:$0x3FB9]  }
0x39: {  	_ = 	snop;
	(pc) =	sbr.ind lr, $3  }
0x3a: {  	_ = 	snop  }
0x3b: {  	_ = 	snop  }
0x3c: {  	p2 =	seq.s32 s10, $0x1;
	s10 =	sld [smem:$0x3FB8]  }
0x3d: {  	_ =	shalt  }
0x3e: {  	_ =	shalt  }
0x3f: {  	_ =	shalt  }
0x40: {  	_ =	shalt  }
0x41: {  	_ =	shalt  }
0x42: {  	_ =	shalt  }
0x43: {  	_ =	shalt  }
0x44: {  	_ =	shalt  }
0x45: {  	_ =	shalt  }
0x46: {  	_ =	shalt  }
0x47: {  	_ =	shalt  }
0x48: {  	_ =	shalt  }
0x49: {  	_ =	shalt  }
0x4a: {  	_ =	shalt  }
0x4b: {  	_ =	shalt  }
0x4c: {  	_ =	shalt  }
0x4d: {  	_ =	shalt  }
0x4e: {  	_ =	shalt  }
0x4f: {  	_ =	shalt  }
0x50: {  	_ =	shalt  }
0x51: {  	_ =	shalt  }
0x52: {  	_ =	shalt  }
0x53: {  	_ =	shalt  }
0x54: {  	_ =	shalt  }
0x55: {  	_ =	shalt  }
0x56: {  	_ =	shalt  }
0x57: {  	_ =	shalt  }
0x58: {  	_ =	shalt  }
0x59: {  	_ =	shalt  }
0x5a: {  	_ =	shalt  }
0x5b: {  	_ =	shalt  }
0x5c: {  	_ =	shalt  }
0x5d: {  	_ =	shalt  }
0x5e: {  	_ =	shalt  }
0x5f: {  	_ =	shalt  }
0x60: {  	_ =	shalt  }
0x61: {  	_ =	shalt  }
0x62: {  	_ =	shalt  }
0x63: {  	_ =	shalt  }
0x64: {  	_ =	shalt  }
0x65: {  	_ =	shalt  }
0x66: {  	_ =	shalt  }
0x67: {  	_ =	shalt  }
0x68: {  	_ =	shalt  }
0x69: {  	_ =	shalt  }
0x6a: {  	_ =	shalt  }
0x6b: {  	_ =	shalt  }
0x6c: {  	_ =	shalt  }
0x6d: {  	_ =	shalt  }
0x6e: {  	_ =	shalt  }
0x6f: {  	_ =	shalt  }
0x70: {  	_ =	shalt  }
0x71: {  	_ =	shalt  }
0x72: {  	_ =	shalt  }
0x73: {  	_ =	shalt  }
0x74: {  	_ =	shalt  }
0x75: {  	_ =	shalt  }
0x76: {  	_ =	shalt  }
0x77: {  	_ =	shalt  }
0x78: {  	_ =	shalt  }
0x79: {  	_ =	shalt  }
0x7a: {  	_ =	shalt  }
0x7b: {  	_ =	shalt  }
0x7c: {  	_ =	shalt  }
0x7d: {  	_ =	shalt  }
0x7e: {  	_ =	shalt  }
0x7f: {  	_ =	shalt  }
0x80: {  	_ =	shalt  }
0x81: {  	_ =	shalt  }
0x82: {  	_ =	shalt  }
0x83: {  	_ =	shalt  }
0x84: {  	_ =	shalt  }
0x85: {  	_ =	shalt  }
0x86: {  	_ =	shalt  }
0x87: {  	_ =	shalt  }
.Lfunc_end0:
.L_simem_size_0:
called_computation_lowered:
.L_overlay_start_0:
0x88: {  	s2 =	sld [smem:$0x3FD9]  }
0x89: {  	s3 =	sld [smem:$0x3FFE];
	_ =	sdelay $0x1  }
0x8a: {  	s1 =	srdreg.scid  }
0x8b: {  	s0 =	sand.u32 $0x1, s1  }
0x8c: {  	s15 =	sshll.u32 s0, $0xA;
	s2 =	sadd.s32 s3, s2  }
0x8d: {  	s2 =	sadd.s32 s2, s15  }
0x8e: {  	[smem:$0x3FC4] =	sst s2  }
0x8f: {  	_ = 	snop  }
0x90: {  	s2 =	sld [smem:$0x3FC9]  }
0x91: {  	s16 =	sld [smem:$0x3FD0]  }
0x92: {  	s4 =	sld [smem:$0x3FC8]  }
0x93: {  	s5 =	sld [smem:$0x3FC7]  }
0x94: {  	s7 =	simm.s32 $0xA;
	s8 =	simm.s32 $0x10;
	s6 =	sld [smem:$0x3FC6]  }
0x95: {  	[smem:s8], [sflag:s7] =	dma.local [hbm:s16], $0x1  }
0x96: {  	_ =	swait.eq [sflag:s7], $0x1  }
0x97: {  	[sflag:s7] =	ssyncset.done $0x0  }
0x98: {  	s17 =	sld [smem:$0x10];
	[sflag:s7] =	ssyncadd.s32 $0xFFFFFFFF  }
0x99: {  	s18 =	sld [smem:$0x11];
	(tm) =	ssettm $0x1  }
0x9a: {  	s19 =	sld [smem:$0x3FFB];
	_ =	sdelay $0x3  }
0x9b: {  	_ =	strace s19  }
0x9c: {  	s8 =	sld [smem:$0x3FFC];
	_ =	sdelay $0x3  }
0x9d: {  	_ =	strace s8  }
0x9e: {  	s8 =	sld [smem:$0x3FFD];
	_ =	sdelay $0x3  }
0x9f: {  	_ =	strace s8  }
0xa0: {  	_ =	strace $0x8FFFFFFF  }
0xa1: {  	s20 =	sld [smem:$0x3FDB];
	_ =	sdelay $0x1  }
0xa2: {  	s9 =	simm.s32 $_scs_section_size  }
0xa3: {  	s10 =	simm.s32 $_size__tile_overlayer_lowered;
	s11 =	simm.s32 $_tile_overlayer_lowered  }
0xa4: {  	s23 =	simm.s32 $0x1BFF;
	s22 =	sshll.u32 s11, $0x1;
	s8 =	sadd.s32 s9, s20  }
0xa5: {  	s12 =	simm.s32 $0x0;
	s21 =	sshll.u32 s10, $0x1;
	s10 =	sadd.s32 s22, s8  }
0xa6: {  	[timem:s12], [sflag:s23] =	dma.local [hbm:s10], s21  }
0xa7: {  	_ =	swait.ge [sflag:s23], s21  }
0xa8: {  	s9 =	ssub.s32 $0x0, s21;
	[sflag:s23] =	ssyncset.done $0x0  }
0xa9: {  	[sflag:s23] =	ssyncadd.s32 s9;
	_ =	sdelay $0x1  }
0xaa: {  	s24 =	simm.s32 $0x1B8B  }
0xab: {  	_ =	swait.ge [sflag:s24], $0x1  }
0xac: {  	[sflag:s24] =	ssyncset.done $0x0  }
0xad: {  	s25 =	simm.s32 $0x1B8E;
	[sflag:s24] =	ssyncadd.s32 $0xFFFFFFFF  }
0xae: {  	s26 =	simm.s32 $execute0_lowered;
	[smem:$0x3FD2] =	sst s25  }
0xaf: {  	s9 =	sshll.u32 s26, $0x1;
	_ =	strace $0x80000046;
	[dreg:$0x1] =	wrdreg $0xFFFFFFFF  }
0xb0: {  	s28 =	simm.s32 $_size_execute0_lowered;
	s8 =	sadd.s32 s8, s9;
	[dreg:$0x0] =	wrdreg $0x0  }
0xb1: {  	s9 =	sshll.u32 s28, $0x1;
	[dreg:$0x2] =	wrdreg s8  }
0xb2: {  	[dreg:$0x3] =	wrdreg s9  }
0xb3: {  	[dreg:$0x4] =	wrdreg $0xC0  }
0xb4: {  	_ =	task [dreg:s12], $0x5FFFF  }
0xb5: {  	[dreg:$0x1] =	wrdreg $0xFFFFFFFF  }
0xb6: {  	[dreg:$0x0] =	wrdreg $0x60  }
0xb7: {  	[dreg:$0x2] =	wrdreg s2  }
0xb8: {  	[dreg:$0x3] =	wrdreg s4  }
0xb9: {  	[dreg:$0x4] =	wrdreg s5  }
0xba: {  	[dreg:$0x5] =	wrdreg s6  }
0xbb: {  	[dreg:$0x6] =	wrdreg s17  }
0xbc: {  	[dreg:$0x7] =	wrdreg s18  }
0xbd: {  	[dreg:$0x8] =	wrdreg $0x9  }
0xbe: {  	_ =	task.clear_ibuf [dreg:s12], $0x9FFFF;
	_ =	strace $0x90000046  }
0xbf: {  	s29 =	simm.s32 $0x9;
	_ =	strace $0x80000048  }
0xc0: {  	_ =	swait.ge [sflag:s29], $0x1  }
0xc1: {  	[sflag:s29] =	ssyncadd.s32 $0xFFFFFFFF  }
0xc2: {  	_ =	strace $0x90000048  }
0xc3: {  	_ =	sfence  }
0xc4: {  	s30 =	sld [smem:$0x0];
	_ =	sdelay $0x2  }
0xc5: {  	s31 =	sshll.u32 s1, $0xD;
	s1 =	sshrl.u32 s1, $0x2  }
0xc6: {  	s3 =	sand.u32 $0x4000, s31;
	s1 =	sadd.s32 s1, s30  }
0xc7: {  	s0 =	sor.u32 s3, s0;
	s1 =	sshll.u32 s1, $0x11  }
0xc8: {  	s0 =	sor.u32 s1, s0  }
0xc9: {  	s0 =	sadd.s32 $0x8F2B, s0  }
0xca: {  	[sflag:s0] =	ssyncadd.remote.s32 $0x1  }
0xcb: {  	_ =	sfence.sel $0xFFFF  }
0xcc: {  	[dreg:$0x0] =	wrdreg $0xFFFFFFFF;
	(pc) =	sbr.abs _section_cstart, $3  }
0xcd: {  	[dreg:$0x1] =	wrdreg $0xFFFFFFFF  }
0xce: {  	_ =	task.clear_ibuf [dreg:s12], $0x2FFFF;
	_ =	strace $0x9FFFFFFF  }
0xcf: {  	(tm) =	ssettm $0x7FFFFFFF  }
tec
execute0_lowered:
.L_overlay_start_1:
0x0: {  	(tag) =	ssettag $0x1  }
0x1: {  	s10 =	rddreg [dreg:$0x0]  }
0x2: {  	s11 =	rddreg [dreg:$0x1]  }
0x3: {  	s0 =	rddreg [dreg:$0x2]  }
0x4: {  	s1 =	rddreg [dreg:$0x3]  }
0x5: {  	s2 =	rddreg [dreg:$0x4]  }
0x6: {  	s3 =	rddreg [dreg:$0x5];
	s4 =	srdreg.scid  }
0x7: {  	s6 =	stileid.u32;
	s9 =	simm.s32 $0x0;
	s31 =	simm.s32 $0x1D000  }
0x8: {  	s30 =	simm.s32 $0x1A000;
	s18 =	simm.s32 $0x1A400;
	s28 =	simm.s32 $0x1C800  }
0x9: {  	s29 =	simm.s32 $0x1CC00;
	s4 =	sand.u32 $0x1, s4;
	s5 =	sshll.u32 s6, $0x1  }
0xa: {  	s6 =	sshrl.u32 s6, $0x2;
	[smem:$0x7FF] =	sst s9;
	s5 =	sor.u32 s4, s5  }
0xb: {  	s4 =	ssub.s32 $0x2, s4;
	s8 =	smul.u32 $0x1800000, s6;
	_ =	strace $0x80000047  }
0xc: {  	s20 =	sshll.u32 s6, $0x12;
	s21 =	sshll.u32 s6, $0xF;
	s6 =	sshll.u32 s6, $0x4  }
0xd: {  	[dreg:$0x14] =	wrdreg s31;
	s7 =	sand.u32 $0x7, s5;
	s19 =	sshrl.u32 s4, $0x1  }
0xe: {  	[dreg:$0x15] =	wrdreg s20;
	s5 =	smul.u32 $0x60, s5;
	s22 =	sadd.s32 s11, s21  }
0xf: {  	s0 =	sadd.s32 s0, s6;
	s23 =	sadd.s32 s1, s6;
	s20 =	simm.s32 $0x1AC00  }
0x10: {  	s21 =	simm.s32 $0x1B000;
	s1 =	simm.s32 $0x0;
	[dreg:$0x17] =	wrdreg s22  }
0x11: {  	s7 =	smul.u32 $0x300000, s7;
	s4 =	ssub.s32 s4, s19;
	[dreg:$0x19] =	wrdreg s0  }
0x12: {  	[dreg:$0x1a] =	wrdreg s23;
	s19 =	simm.s32 $0x1A800;
	s24 =	sadd.s32 s2, s5  }
0x13: {  	s22 =	simm.s32 $0x1B400;
	s25 =	sadd.s32 s3, s5;
	[dreg:$0x1b] =	wrdreg s24  }
0x14: {  	s23 =	simm.s32 $0x1B800;
	s7 =	sadd.s32 s8, s7;
	[dreg:$0x1c] =	wrdreg s25  }
0x15: {  	s26 =	smax.u32 s4, $0x1;
	[dreg:$0x16] =	wrdreg s7;
	s7 =	sshrl.u32 s7, $0x3  }
0x16: {  	[dreg:$0x1d] =	wrdreg s26;
	s24 =	simm.s32 $0x1BC00;
	s7 =	sadd.s32 s10, s7  }
0x17: {  	v0 =	vimm.f32 $0.0e+00;
	v1 =	vimm.f32 $1.000000000e+00;
	s25 =	simm.s32 $0x1C000;
	s26 =	simm.s32 $0x1C400;
	[dreg:$0x18] =	wrdreg s7  }
.LBB2_1:
0x18: {  	[dreg:$0x1e] =	wrdreg s1;
	s0 =	simm.s32 $0x0;
	s1 =	simm.s32 $0x40  }
.LBB2_2:
0x19: {  	p0 =	sne.s32 s1, $0xFC0;
	[tilespmem:s0+$0x1CC00] =	vst v0  }
0x1a: {  	[tilespmem:s0+$0x1A000] =	vst v0  }
0x1b: {  	[tilespmem:s0+$0x1A400] =	vst v0  }
0x1c: {  	[tilespmem:s0+$0x1A800] =	vst v0  }
0x1d: {  	[tilespmem:s0+$0x1AC00] =	vst v0  }
0x1e: {  	[tilespmem:s0+$0x1B000] =	vst v0  }
0x1f: {  	[tilespmem:s0+$0x1B400] =	vst v0  }
.Ltmp0:
0x20: {  	[tilespmem:s0+$0x1B800] =	vst v0;
	(pc) =	sbr.rel @p0 .LBB2_2-.Ltmp0, $4  }
0x21: {  	[tilespmem:s0+$0x1BC00] =	vst v0  }
0x22: {  	[tilespmem:s0+$0x1C000] =	vst v0  }
0x23: {  	[tilespmem:s0+$0x1C400] =	vst v0  }
0x24: {  	[tilespmem:s0+$0x1C800] =	vst v0;
	s0 =	sshra.s32 s1, $0x2;
	s1 =	sadd.s32 $0x40, s1  }
0x25: {  	[tilespmem:s0+$0x1CC00] =	vst v0  }
0x26: {  	[tilespmem:s0+$0x1A000] =	vst v0  }
0x27: {  	[tilespmem:s0+$0x1A400] =	vst v0  }
0x28: {  	[tilespmem:s0+$0x1A800] =	vst v0  }
0x29: {  	[tilespmem:s0+$0x1AC00] =	vst v0  }
0x2a: {  	[tilespmem:s0+$0x1B000] =	vst v0  }
0x2b: {  	[tilespmem:s0+$0x1B400] =	vst v0  }
0x2c: {  	[tilespmem:s0+$0x1B800] =	vst v0  }
0x2d: {  	[tilespmem:s0+$0x1BC00] =	vst v0  }
0x2e: {  	[tilespmem:s0+$0x1C000] =	vst v0  }
0x2f: {  	[tilespmem:s0+$0x1C400] =	vst v0  }
0x30: {  	[tilespmem:s0+$0x1C800] =	vst v0;
	s0 =	simm.s32 $0x40;
	s1 =	simm.s32 $0x0  }
.LBB2_4:
0x31: {  	p0 =	sne.s32 s0, $0xFC0;
	[tilespmem:s1+$0x1D000] =	vst v0;
	s1 =	smov.u32 s0;
	s0 =	sadd.s32 $0x40, s0  }
.Ltmp1:
0x32: {  	(pc) =	sbr.rel @p0 .LBB2_4-.Ltmp1, $2  }
0x33: {  	_ =	sdelay $0x2  }
0x34: {  	s1 =	sshra.s32 s1, $0x2  }
0x35: {  	s0 =	rddreg [dreg:$0x17]  }
0x36: {  	[tilespmem:s1+$0x1D000] =	vst v0;
	s16 =	simm.s32 $0x0;
	s17 =	rddreg [dreg:$0x18];
	s31 =	simm.s32 $0x1000  }
0x37: {  	[tilespmem:s16], [sflag:$0x1] =	stream.linear.gather [hbm4b:s0+s16], $0x1000, $0x38;
	[tilespmem:$0x1DF00] =	vst v63  }
0x38: {  	s2 =	simm.s32 $0x40000;
	s3 =	simm.s32 $0x2000;
	s0 =	simm.s32 $0x0  }
0x39: {  	[tilespmem:s3], [sflag:$0x1] =	stream.strided.gather [hbm4b:s17+s31], $0xC000, s2, s31, $0x38;
	[tilespmem:$0x1DF00] =	vst v63  }
.LBB2_7:
0x3a: {  	s2 =	sadd.s32 $0x1, s0;
	p0 =	seq.s32 s0, $0x3F;
	s3 =	rddreg [dreg:$0x15]  }
0x3b: {  	s6 =	rddreg [dreg:$0x1];
	s1 =	sshll.u32 @!p0 s2, $0xC  }
0x3c: {  	[dreg:$0x1f] =	wrdreg s2;
	s2 =	sand.u32 @!p0 $0x1, s2;
	s3 =	sadd.s32 @!p0 s3, s1  }
0x3d: {  	s4 =	sadd.s32 @!p0 $0x1, s2;
	s5 =	sshll.u32 @!p0 s2, $0xC;
	s3 =	sshrl.u32 @!p0 s3, $0x3  }
0x3e: {  	s2 =	smul.u32 @!p0 $0x30000, s2;
	s3 =	sadd.s32 @!p0 s6, s3;
	s6 =	simm.s32 @!p0 $0x0  }
0x3f: {  	[tilespmem:s5], [sflag:s4] =	stream.linear.gather @!p0 [hbm4b:s3+s6], $0x1000, $0x38;
	[tilespmem:$0x1DF00] =	vst v63  }
0x40: {  	s3 =	rddreg [dreg:$0x16]  }
0x41: {  	s17 =	sand.u32 $0x1, s0;
	s2 =	sshrl.u32 @!p0 s2, $0x2;
	s1 =	sor.u32 @!p0 s3, s1  }
0x42: {  	s2 =	sor.u32 @!p0 $0x2000, s2;
	s3 =	rddreg [dreg:$0x0];
	s1 =	sshrl.u32 @!p0 s1, $0x3  }
0x43: {  	s5 =	simm.s32 @!p0 $0x40000;
	s1 =	sadd.s32 @!p0 s3, s1;
	s3 =	simm.s32 @!p0 $0x1000  }
0x44: {  	[tilespmem:s2], [sflag:s4] =	stream.strided.gather @!p0 [hbm4b:s1+s3], $0xC000, s5, s3, $0x38;
	[tilespmem:$0x1DF00] =	vst v63  }
0x45: {  	s1 =	sadd.s32 $0x1, s17  }
0x46: {  	s4 =	smul.u32 $0x30000, s17;
	_ =	swait.ge [sflag:s1], $0x1000  }
0x47: {  	[sflag:s1] =	ssyncset.done $0x0  }
0x48: {  	s0 =	sshll.u32 s17, $0xC;
	s2 =	sshrl.u32 s4, $0x2;
	[sflag:s1] =	ssyncadd.s32 $0xFFFFF000  }
0x49: {  	s5 =	sor.u32 $0x2000, s2;
	_ =	swait.ge [sflag:s1], $0xC000;
	[dreg:$0x7] =	wrdreg s0  }
0x4a: {  	s6 =	sor.u32 $0x3000, s2;
	[dreg:$0x8] =	wrdreg s5  }
0x4b: {  	s7 =	sadd.s32 $0x4000, s2;
	[dreg:$0x9] =	wrdreg s6  }
0x4c: {  	s8 =	sadd.s32 $0x5000, s2;
	[dreg:$0xa] =	wrdreg s7  }
0x4d: {  	s9 =	sadd.s32 $0x6000, s2;
	[dreg:$0xb] =	wrdreg s8  }
0x4e: {  	s10 =	sadd.s32 $0x7000, s2;
	[dreg:$0xc] =	wrdreg s9  }
0x4f: {  	s11 =	sadd.s32 $0x8000, s2;
	[dreg:$0xd] =	wrdreg s10  }
0x50: {  	s17 =	simm.s32 $0x0;
	s12 =	sadd.s32 $0x9000, s2;
	[dreg:$0xe] =	wrdreg s11  }
0x51: {  	s4 =	sand.u32 $0x70, s17;
	s13 =	sadd.s32 $0xA000, s2;
	[dreg:$0xf] =	wrdreg s12  }
0x52: {  	s15 =	sadd.s32 $0xB000, s2;
	s16 =	sadd.s32 $0xC000, s2;
	[dreg:$0x10] =	wrdreg s13  }
0x53: {  	s2 =	sadd.s32 $0xD000, s2;
	s0 =	sand.u32 $0xC00, s17;
	s14 =	rddreg [dreg:$0x7]  }
0x54: {  	[dreg:$0x11] =	wrdreg s15;
	s13 =	sand.u32 $0x380, s17;
	s3 =	sadd.s32 s0, s14  }
0x55: {  	[dreg:$0x12] =	wrdreg s16;
	[sflag:s1] =	ssyncset.done $0x0;
	s3 =	sadd.s32 s13, s3  }
0x56: {  	[dreg:$0x13] =	wrdreg s2;
	[sflag:s1] =	ssyncadd.s32 $0xFFFF4000;
	s5 =	sadd.s32 s4, s3  }
0x57: {  	v2 =	vld [tilespmem:s5+$0x0];
	_ =	sdelay $0x4  }
0x58: {  	s6 =	rddreg [dreg:$0x8]  }
0x59: {  	s1 =	sadd.s32 s0, s6  }
0x5a: {  	s7 =	rddreg [dreg:$0x14];
	s1 =	sadd.s32 s13, s1  }
0x5b: {  	s1 =	sadd.s32 s4, s1;
	[tilespmem:v2+s7+$0x0] =	vst.idx.add.f32.msk $0xffff, v1  }
0x5c: {  	v3 =	vld [tilespmem:s1+$0x0];
	_ =	sdelay $0x1  }
0x5d: {  	s8 =	rddreg [dreg:$0x9]  }
0x5e: {  	s1 =	sadd.s32 s0, s8  }
0x5f: {  	s1 =	sadd.s32 s13, s1  }
0x60: {  	s1 =	sadd.s32 s4, s1;
	[tilespmem:v2+s30+$0x0] =	vst.idx.add.f32.msk $0xffff, v3  }
0x61: {  	v3 =	vld [tilespmem:s1+$0x0];
	_ =	sdelay $0x1  }
0x62: {  	s9 =	rddreg [dreg:$0xa]  }
0x63: {  	s1 =	sadd.s32 s0, s9  }
0x64: {  	s1 =	sadd.s32 s13, s1  }
0x65: {  	s11 =	simm.s32 $0x80;
	s1 =	sadd.s32 s4, s1;
	[tilespmem:v2+s18+$0x0] =	vst.idx.add.f32.msk $0xffff, v3  }
0x66: {  	s12 =	simm.s32 $0x4;
	s10 =	rddreg [dreg:$0x7];
	s14 =	sand.u32 $0xC00, s11;
	v4 =	vld [tilespmem:s1+$0x0]  }
0x67: {  	s16 =	simm.s32 $0x10;
	s17 =	sadd.s32 s14, s10;
	s3 =	sand.u32 $0x380, s12  }
0x68: {  	s2 =	sand.u32 $0x70, s16;
	s5 =	sadd.s32 s3, s17;
	s15 =	rddreg [dreg:$0xb]  }
0x69: {  	s5 =	sadd.s32 s2, s5;
	s1 =	sadd.s32 s0, s15  }
0x6a: {  	v3 =	vld [tilespmem:s5+$0x0];
	s1 =	sadd.s32 s13, s1  }
0x6b: {  	s1 =	sadd.s32 s4, s1;
	[tilespmem:v2+s19+$0x0] =	vst.idx.add.f32.msk $0xffff, v4  }
0x6c: {  	v4 =	vld [tilespmem:s1+$0x0];
	_ =	sdelay $0x1  }
0x6d: {  	s6 =	rddreg [dreg:$0xc]  }
0x6e: {  	s1 =	sadd.s32 s0, s6  }
0x6f: {  	s1 =	sadd.s32 s13, s1  }
0x70: {  	s7 =	rddreg [dreg:$0x8];
	s1 =	sadd.s32 s4, s1;
	[tilespmem:v2+s20+$0x0] =	vst.idx.add.f32.msk $0xffff, v4  }
0x71: {  	s5 =	sadd.s32 s14, s7;
	v4 =	vld [tilespmem:s1+$0x0]  }
0x72: {  	s8 =	rddreg [dreg:$0x14];
	s5 =	sadd.s32 s3, s5  }
0x73: {  	s5 =	sadd.s32 s2, s5;
	[tilespmem:v3+s8+$0x0] =	vst.idx.add.f32.msk $0xffff, v1;
	s9 =	rddreg [dreg:$0xd]  }
0x74: {  	v5 =	vld [tilespmem:s5+$0x0];
	s1 =	sadd.s32 s0, s9  }
0x75: {  	s1 =	sadd.s32 s13, s1  }
0x76: {  	s10 =	rddreg [dreg:$0x9];
	s1 =	sadd.s32 s4, s1;
	[tilespmem:v2+s21+$0x0] =	vst.idx.add.f32.msk $0xffff, v4  }
0x77: {  	s5 =	sadd.s32 s14, s10;
	v4 =	vld [tilespmem:s1+$0x0]  }
0x78: {  	s5 =	sadd.s32 s3, s5  }
0x79: {  	s5 =	sadd.s32 s2, s5;
	[tilespmem:v3+s30+$0x0] =	vst.idx.add.f32.msk $0xffff, v5;
	s11 =	rddreg [dreg:$0xe]  }
0x7a: {  	v5 =	vld [tilespmem:s5+$0x0];
	s1 =	sadd.s32 s0, s11  }
0x7b: {  	s1 =	sadd.s32 s13, s1  }
0x7c: {  	s12 =	rddreg [dreg:$0xa];
	s1 =	sadd.s32 s4, s1;
	[tilespmem:v2+s22+$0x0] =	vst.idx.add.f32.msk $0xffff, v4  }
0x7d: {  	s7 =	simm.s32 $0x8;
	s5 =	sadd.s32 s14, s12;
	v4 =	vld [tilespmem:s1+$0x0]  }
0x7e: {  	s15 =	rddreg [dreg:$0x7];
	s8 =	simm.s32 $0x100;
	s5 =	sadd.s32 s3, s5  }
0x7f: {  	s8 =	sand.u32 $0xC00, s8;
	s5 =	sadd.s32 s2, s5;
	[tilespmem:v3+s18+$0x0] =	vst.idx.add.f32.msk $0xffff, v5;
	s16 =	rddreg [dreg:$0xf]  }
0x80: {  	s7 =	sand.u32 $0x380, s7;
	s6 =	sadd.s32 s8, s15;
	v6 =	vld [tilespmem:s5+$0x0];
	s1 =	sadd.s32 s0, s16  }
0x81: {  	s6 =	sadd.s32 s7, s6;
	s9 =	simm.s32 $0x20;
	s1 =	sadd.s32 s13, s1  }
0x82: {  	s9 =	sand.u32 $0x70, s9;
	s17 =	rddreg [dreg:$0xb];
	s1 =	sadd.s32 s4, s1;
	[tilespmem:v2+s23+$0x0] =	vst.idx.add.f32.msk $0xffff, v4  }
0x83: {  	s31 =	simm.s32 $0x180;
	s6 =	sadd.s32 s9, s6;
	s5 =	sadd.s32 s14, s17;
	v4 =	vld [tilespmem:s1+$0x0]  }
0x84: {  	s10 =	simm.s32 $0xC;
	s15 =	simm.s32 $0x30;
	v5 =	vld [tilespmem:s6+$0x0];
	s6 =	sadd.s32 s3, s5  }
0x85: {  	s12 =	sand.u32 $0xC00, s31;
	s11 =	rddreg [dreg:$0x7];
	[tilespmem:v3+s19+$0x0] =	vst.idx.add.f32.msk $0xffff, v6;
	s1 =	sadd.s32 s2, s6  }
0x86: {  	s10 =	sand.u32 $0x380, s10;
	s16 =	sadd.s32 s12, s11;
	s5 =	rddreg [dreg:$0x10];
	v6 =	vld [tilespmem:s1+$0x0]  }
0x87: {  	s11 =	sand.u32 $0x70, s15;
	s6 =	sadd.s32 s10, s16;
	s5 =	sadd.s32 s0, s5  }
0x88: {  	s17 =	rddreg [dreg:$0xc];
	s6 =	sadd.s32 s11, s6;
	s5 =	sadd.s32 s13, s5;
	[tilespmem:v2+s24+$0x0] =	vst.idx.add.f32.msk $0xffff, v4  }
0x89: {  	s1 =	sadd.s32 s14, s17;
	s5 =	sadd.s32 s4, s5;
	v4 =	vld [tilespmem:s6+$0x0]  }
0x8a: {  	s16 =	rddreg [dreg:$0x8];
	s1 =	sadd.s32 s3, s1;
	v7 =	vld [tilespmem:s5+$0x0]  }
0x8b: {  	s17 =	rddreg [dreg:$0x14];
	s16 =	sadd.s32 s8, s16;
	s1 =	sadd.s32 s2, s1;
	[tilespmem:v3+s20+$0x0] =	vst.idx.add.f32.msk $0xffff, v6  }
0x8c: {  	s16 =	sadd.s32 s7, s16;
	s6 =	rddreg [dreg:$0x11];
	v6 =	vld [tilespmem:s1+$0x0]  }
0x8d: {  	[tilespmem:v5+s17+$0x0] =	vst.idx.add.f32.msk $0xffff, v1;
	s16 =	sadd.s32 s9, s16;
	s6 =	sadd.s32 s0, s6  }
0x8e: {  	v8 =	vld [tilespmem:s16+$0x0];
	s1 =	rddreg [dreg:$0xd];
	s6 =	sadd.s32 s13, s6  }
0x8f: {  	s1 =	sadd.s32 s14, s1;
	s6 =	sadd.s32 s4, s6;
	[tilespmem:v2+s25+$0x0] =	vst.idx.add.f32.msk $0xffff, v7  }
0x90: {  	s17 =	rddreg [dreg:$0x9];
	s1 =	sadd.s32 s3, s1;
	v7 =	vld [tilespmem:s6+$0x0]  }
0x91: {  	s5 =	sadd.s32 s8, s17;
	s1 =	sadd.s32 s2, s1;
	[tilespmem:v3+s21+$0x0] =	vst.idx.add.f32.msk $0xffff, v6  }
0x92: {  	s5 =	sadd.s32 s7, s5;
	s16 =	rddreg [dreg:$0x12];
	v6 =	vld [tilespmem:s1+$0x0]  }
0x93: {  	s5 =	sadd.s32 s9, s5;
	[tilespmem:v5+s30+$0x0] =	vst.idx.add.f32.msk $0xffff, v8;
	s6 =	sadd.s32 s0, s16  }
0x94: {  	v8 =	vld [tilespmem:s5+$0x0];
	s17 =	rddreg [dreg:$0xe];
	s6 =	sadd.s32 s13, s6  }
0x95: {  	s16 =	rddreg [dreg:$0xa];
	s1 =	sadd.s32 s14, s17;
	s6 =	sadd.s32 s4, s6;
	[tilespmem:v2+s26+$0x0] =	vst.idx.add.f32.msk $0xffff, v7  }
0x96: {  	s5 =	sadd.s32 s8, s16;
	s1 =	sadd.s32 s3, s1;
	v10 =	vld [tilespmem:s6+$0x0]  }
0x97: {  	s30 =	sadd.s32 s7, s5;
	s1 =	sadd.s32 s2, s1;
	[tilespmem:v3+s22+$0x0] =	vst.idx.add.f32.msk $0xffff, v6  }
0x98: {  	s17 =	rddreg [dreg:$0x13];
	s6 =	sadd.s32 s9, s30;
	v9 =	vld [tilespmem:s1+$0x0]  }
0x99: {  	[tilespmem:v5+s18+$0x0] =	vst.idx.add.f32.msk $0xffff, v8;
	v8 =	vmov v5;
	v7 =	vmov v3;
	v6 =	vmov v5;
	s5 =	rddreg [dreg:$0xf];
	s1 =	sadd.s32 s0, s17;
	s0 =	simm.s32 $0x10  }
.LBB2_8:
0x9a: {  	v11 =	vmov v5;
	v5 =	vmov v4;
	v4 =	vld [tilespmem:s6+$0x0];
	s16 =	rddreg [dreg:$0xb];
	s1 =	sadd.s32 s13, s1;
	s5 =	sadd.s32 s14, s5  }
0x9b: {  	s17 =	rddreg [dreg:$0x7];
	s15 =	sadd.s32 $0x10, s15;
	s4 =	sadd.s32 s4, s1;
	[tilespmem:v2+s28+$0x0] =	vst.idx.add.f32.msk $0xffff, v10  }
0x9c: {  	s31 =	sadd.s32 $0x80, s31;
	s1 =	smov.u32 s14;
	s5 =	sadd.s32 s3, s5;
	v10 =	vld [tilespmem:s4+$0x0]  }
0x9d: {  	s16 =	sadd.s32 s8, s16;
	s6 =	sand.u32 $0xC00, s31;
	s5 =	sadd.s32 s2, s5;
	[tilespmem:v3+s23+$0x0] =	vst.idx.add.f32.msk $0xffff, v9  }
0x9e: {  	s14 =	rddreg [dreg:$0x10];
	s13 =	sadd.s32 s6, s17;
	s4 =	sadd.s32 s7, s16;
	v9 =	vld [tilespmem:s5+$0x0]  }
0x9f: {  	s17 =	rddreg [dreg:$0xc];
	s16 =	sand.u32 $0x380, s0;
	[tilespmem:v6+s19+$0x0] =	vst.idx.add.f32.msk $0xffff, v4;
	s4 =	sadd.s32 s9, s4  }
0xa0: {  	s30 =	sadd.s32 s1, s14;
	s5 =	sand.u32 $0x70, s15;
	s13 =	sadd.s32 s16, s13;
	v12 =	vld [tilespmem:s4+$0x0]  }
0xa1: {  	s14 =	smov.u32 s8;
	s30 =	sadd.s32 s3, s30;
	s13 =	sadd.s32 s5, s13;
	[tilespmem:v2+s29+$0x0] =	vst.idx.add.f32.msk $0xffff, v10  }
0xa2: {  	s8 =	smov.u32 s12;
	s12 =	sadd.s32 s2, s30;
	s30 =	rddreg [dreg:$0x11];
	v4 =	vld [tilespmem:s13+$0x0]  }
0xa3: {  	s4 =	sadd.s32 s14, s17;
	s17 =	rddreg [dreg:$0x14];
	[tilespmem:v7+s24+$0x0] =	vst.idx.add.f32.msk $0xffff, v9  }
0xa4: {  	s4 =	sadd.s32 s7, s4;
	v2 =	vmov v3;
	s13 =	rddreg [dreg:$0x8];
	v9 =	vld [tilespmem:s12+$0x0]  }
0xa5: {  	s4 =	sadd.s32 s9, s4;
	s12 =	smov.u32 s6;
	s6 =	sadd.s32 s8, s13;
	[tilespmem:v8+s20+$0x0] =	vst.idx.add.f32.msk $0xffff, v12  }
0xa6: {  	v3 =	vmov v6;
	s13 =	smov.u32 s3;
	s3 =	smov.u32 s7;
	s6 =	sadd.s32 s10, s6;
	v10 =	vld [tilespmem:s4+$0x0]  }
0xa7: {  	s7 =	smov.u32 s10;
	[tilespmem:v5+s17+$0x0] =	vst.idx.add.f32.msk $0xffff, v1;
	s17 =	sadd.s32 s1, s30;
	s6 =	sadd.s32 s11, s6  }
0xa8: {  	v6 =	vmov v5;
	v7 =	vmov v11;
	s4 =	rddreg [dreg:$0xd];
	s10 =	smov.u32 s16;
	s17 =	sadd.s32 s13, s17;
	v11 =	vld [tilespmem:s6+$0x0]  }
0xa9: {  	s16 =	sadd.s32 s14, s4;
	s4 =	smov.u32 s2;
	s17 =	sadd.s32 s2, s17;
	[tilespmem:v2+s25+$0x0] =	vst.idx.add.f32.msk $0xffff, v9  }
0xaa: {  	s6 =	rddreg [dreg:$0x9];
	s16 =	sadd.s32 s3, s16;
	s2 =	smov.u32 s9;
	v9 =	vld [tilespmem:s17+$0x0]  }
0xab: {  	s30 =	simm.s32 $0x1A000;
	s6 =	sadd.s32 s8, s6;
	s16 =	sadd.s32 s2, s16;
	[tilespmem:v3+s21+$0x0] =	vst.idx.add.f32.msk $0xffff, v10  }
0xac: {  	s9 =	smov.u32 s11;
	s6 =	sadd.s32 s7, s6;
	s17 =	rddreg [dreg:$0x12];
	v12 =	vld [tilespmem:s16+$0x0]  }
0xad: {  	s6 =	sadd.s32 s9, s6;
	s17 =	sadd.s32 s1, s17;
	[tilespmem:v6+s30+$0x0] =	vst.idx.add.f32.msk $0xffff, v11  }
0xae: {  	p0 =	seq.s32 s0, $0x3FC;
	s16 =	rddreg [dreg:$0xe];
	v11 =	vld [tilespmem:s6+$0x0];
	s6 =	sadd.s32 s13, s17  }
.Ltmp2:
0xaf: {  	s16 =	sadd.s32 s14, s16;
	s6 =	sadd.s32 s4, s6;
	[tilespmem:v2+s26+$0x0] =	vst.idx.add.f32.msk $0xffff, v9;
	(pc) =	sbr.rel @!p0 .LBB2_8-.Ltmp2, $4  }
0xb0: {  	s11 =	smov.u32 s5;
	s5 =	rddreg [dreg:$0xa];
	s16 =	sadd.s32 s3, s16;
	v10 =	vld [tilespmem:s6+$0x0]  }
0xb1: {  	s5 =	sadd.s32 s8, s5;
	[tilespmem:v3+s22+$0x0] =	vst.idx.add.f32.msk $0xffff, v12;
	s6 =	sadd.s32 s2, s16  }
0xb2: {  	s0 =	sadd.s32 $0x4, s0;
	s17 =	rddreg [dreg:$0x13];
	s16 =	sadd.s32 s7, s5;
	v9 =	vld [tilespmem:s6+$0x0]  }
0xb3: {  	v8 =	vmov v5;
	s1 =	sadd.s32 s1, s17;
	s5 =	rddreg [dreg:$0xf];
	s6 =	sadd.s32 s9, s16;
	[tilespmem:v6+s18+$0x0] =	vst.idx.add.f32.msk $0xffff, v11  }
0xb4: {  	_ = 	snop  }
0xb5: {  	s0 =	rddreg [dreg:$0x8]  }
0xb6: {  	s0 =	sadd.s32 s12, s0  }
0xb7: {  	s15 =	rddreg [dreg:$0x14];
	s0 =	sadd.s32 s10, s0  }
0xb8: {  	[tilespmem:v4+s15+$0x0] =	vst.idx.add.f32.msk $0xffff, v1;
	s0 =	sadd.s32 s11, s0  }
0xb9: {  	v11 =	vld [tilespmem:s0+$0x0];
	_ =	sdelay $0x1  }
0xba: {  	s31 =	rddreg [dreg:$0x9]  }
0xbb: {  	s0 =	sadd.s32 s12, s31  }
0xbc: {  	s0 =	sadd.s32 s10, s0  }
0xbd: {  	s0 =	sadd.s32 s11, s0;
	[tilespmem:v4+s30+$0x0] =	vst.idx.add.f32.msk $0xffff, v11  }
0xbe: {  	v11 =	vld [tilespmem:s0+$0x0];
	_ =	sdelay $0x1  }
0xbf: {  	v12 =	vld [tilespmem:s6+$0x0];
	s15 =	rddreg [dreg:$0xa]  }
0xc0: {  	s0 =	sadd.s32 s12, s15  }
0xc1: {  	s16 =	rddreg [dreg:$0xb];
	s0 =	sadd.s32 s10, s0  }
0xc2: {  	s6 =	sadd.s32 s8, s16;
	s0 =	sadd.s32 s11, s0;
	[tilespmem:v4+s18+$0x0] =	vst.idx.add.f32.msk $0xffff, v11  }
0xc3: {  	s6 =	sadd.s32 s7, s6;
	v11 =	vld [tilespmem:s0+$0x0]  }
0xc4: {  	s6 =	sadd.s32 s9, s6;
	[tilespmem:v6+s19+$0x0] =	vst.idx.add.f32.msk $0xffff, v12  }
0xc5: {  	v12 =	vld [tilespmem:s6+$0x0];
	s17 =	rddreg [dreg:$0xb]  }
0xc6: {  	s0 =	sadd.s32 s12, s17  }
0xc7: {  	s31 =	rddreg [dreg:$0xc];
	s0 =	sadd.s32 s10, s0  }
0xc8: {  	s6 =	sadd.s32 s8, s31;
	s0 =	sadd.s32 s11, s0;
	[tilespmem:v4+s19+$0x0] =	vst.idx.add.f32.msk $0xffff, v11  }
0xc9: {  	s6 =	sadd.s32 s7, s6;
	v11 =	vld [tilespmem:s0+$0x0]  }
0xca: {  	s6 =	sadd.s32 s9, s6;
	[tilespmem:v8+s20+$0x0] =	vst.idx.add.f32.msk $0xffff, v12  }
0xcb: {  	v8 =	vld [tilespmem:s6+$0x0];
	s15 =	rddreg [dreg:$0xc]  }
0xcc: {  	s0 =	sadd.s32 s12, s15  }
0xcd: {  	s16 =	rddreg [dreg:$0xd];
	s0 =	sadd.s32 s10, s0  }
0xce: {  	s6 =	sadd.s32 s8, s16;
	s0 =	sadd.s32 s11, s0;
	[tilespmem:v4+s20+$0x0] =	vst.idx.add.f32.msk $0xffff, v11  }
0xcf: {  	s6 =	sadd.s32 s7, s6;
	v11 =	vld [tilespmem:s0+$0x0]  }
0xd0: {  	s6 =	sadd.s32 s9, s6;
	[tilespmem:v6+s21+$0x0] =	vst.idx.add.f32.msk $0xffff, v8  }
0xd1: {  	s1 =	sadd.s32 s13, s1;
	v8 =	vld [tilespmem:s6+$0x0];
	s17 =	rddreg [dreg:$0xd]  }
0xd2: {  	[tilespmem:v2+s28+$0x0] =	vst.idx.add.f32.msk $0xffff, v10;
	s1 =	sadd.s32 s4, s1;
	s0 =	sadd.s32 s12, s17  }
0xd3: {  	v10 =	vld [tilespmem:s1+$0x0];
	s31 =	rddreg [dreg:$0xe];
	s0 =	sadd.s32 s10, s0  }
0xd4: {  	s16 =	sadd.s32 s8, s31;
	s0 =	sadd.s32 s11, s0;
	[tilespmem:v4+s21+$0x0] =	vst.idx.add.f32.msk $0xffff, v11  }
0xd5: {  	s17 =	sadd.s32 s7, s16;
	v11 =	vld [tilespmem:s0+$0x0]  }
0xd6: {  	s5 =	sadd.s32 s14, s5;
	[tilespmem:v6+s22+$0x0] =	vst.idx.add.f32.msk $0xffff, v8;
	s1 =	sadd.s32 s9, s17  }
0xd7: {  	s4 =	sadd.s32 s3, s5;
	v8 =	vld [tilespmem:s1+$0x0];
	s15 =	rddreg [dreg:$0xe]  }
0xd8: {  	s4 =	sadd.s32 s2, s4;
	[tilespmem:v3+s23+$0x0] =	vst.idx.add.f32.msk $0xffff, v9;
	s0 =	sadd.s32 s12, s15  }
0xd9: {  	v9 =	vld [tilespmem:s4+$0x0];
	s31 =	rddreg [dreg:$0xf];
	s0 =	sadd.s32 s10, s0  }
0xda: {  	s1 =	sadd.s32 s8, s31;
	s0 =	sadd.s32 s11, s0;
	[tilespmem:v4+s22+$0x0] =	vst.idx.add.f32.msk $0xffff, v11  }
0xdb: {  	s13 =	rddreg [dreg:$0x10];
	s1 =	sadd.s32 s7, s1;
	v11 =	vld [tilespmem:s0+$0x0]  }
0xdc: {  	s4 =	sadd.s32 s14, s13;
	s1 =	sadd.s32 s9, s1;
	[tilespmem:v6+s23+$0x0] =	vst.idx.add.f32.msk $0xffff, v8  }
0xdd: {  	s4 =	sadd.s32 s3, s4;
	v8 =	vld [tilespmem:s1+$0x0];
	s6 =	rddreg [dreg:$0xf]  }
0xde: {  	s4 =	sadd.s32 s2, s4;
	[tilespmem:v7+s24+$0x0] =	vst.idx.add.f32.msk $0xffff, v9;
	s0 =	sadd.s32 s12, s6  }
0xdf: {  	v7 =	vld [tilespmem:s4+$0x0];
	s15 =	rddreg [dreg:$0x10];
	s0 =	sadd.s32 s10, s0  }
0xe0: {  	s1 =	sadd.s32 s8, s15;
	s0 =	sadd.s32 s11, s0;
	[tilespmem:v4+s23+$0x0] =	vst.idx.add.f32.msk $0xffff, v11  }
0xe1: {  	s17 =	rddreg [dreg:$0x11];
	s1 =	sadd.s32 s7, s1;
	v11 =	vld [tilespmem:s0+$0x0]  }
0xe2: {  	s5 =	sadd.s32 s14, s17;
	s1 =	sadd.s32 s9, s1;
	[tilespmem:v5+s24+$0x0] =	vst.idx.add.f32.msk $0xffff, v8  }
0xe3: {  	v5 =	vld [tilespmem:s1+$0x0];
	s1 =	sadd.s32 s3, s5;
	s16 =	rddreg [dreg:$0x10]  }
0xe4: {  	[tilespmem:v3+s25+$0x0] =	vst.idx.add.f32.msk $0xffff, v7;
	s13 =	sadd.s32 s2, s1;
	s0 =	sadd.s32 s12, s16  }
0xe5: {  	s31 =	rddreg [dreg:$0x11];
	v7 =	vld [tilespmem:s13+$0x0];
	s0 =	sadd.s32 s10, s0  }
0xe6: {  	s15 =	sadd.s32 s8, s31;
	s0 =	sadd.s32 s11, s0;
	[tilespmem:v4+s24+$0x0] =	vst.idx.add.f32.msk $0xffff, v11  }
0xe7: {  	s1 =	sadd.s32 s7, s15;
	v63 =	vld [tilespmem:s0+$0x0]  }
0xe8: {  	s1 =	sadd.s32 s9, s1;
	[tilespmem:v6+s25+$0x0] =	vst.idx.add.f32.msk $0xffff, v5  }
0xe9: {  	v5 =	vld [tilespmem:s1+$0x0];
	s6 =	rddreg [dreg:$0x11]  }
0xea: {  	s17 =	sadd.s32 s12, s6  }
0xeb: {  	s16 =	rddreg [dreg:$0x12];
	[tilespmem:v3+s26+$0x0] =	vst.idx.add.f32.msk $0xffff, v7;
	s4 =	sadd.s32 s10, s17  }
0xec: {  	s31 =	rddreg [dreg:$0x12];
	s0 =	sadd.s32 s14, s16;
	s4 =	sadd.s32 s11, s4;
	[tilespmem:v4+s25+$0x0] =	vst.idx.add.f32.msk $0xffff, v63  }
0xed: {  	s1 =	sadd.s32 s8, s31;
	s0 =	sadd.s32 s3, s0;
	v8 =	vld [tilespmem:s4+$0x0]  }
0xee: {  	s1 =	sadd.s32 s7, s1;
	s0 =	sadd.s32 s2, s0;
	[tilespmem:v6+s26+$0x0] =	vst.idx.add.f32.msk $0xffff, v5  }
0xef: {  	s1 =	sadd.s32 s9, s1;
	v7 =	vld [tilespmem:s0+$0x0];
	s5 =	rddreg [dreg:$0x12]  }
0xf0: {  	v5 =	vld [tilespmem:s1+$0x0];
	s4 =	sadd.s32 s12, s5  }
0xf1: {  	s4 =	sadd.s32 s10, s4  }
0xf2: {  	s6 =	rddreg [dreg:$0x13];
	s4 =	sadd.s32 s11, s4;
	[tilespmem:v4+s26+$0x0] =	vst.idx.add.f32.msk $0xffff, v8  }
0xf3: {  	s13 =	rddreg [dreg:$0x13];
	s0 =	sadd.s32 s14, s6;
	v8 =	vld [tilespmem:s4+$0x0]  }
0xf4: {  	s0 =	sadd.s32 s3, s0;
	s1 =	sadd.s32 s8, s13;
	[tilespmem:v3+s28+$0x0] =	vst.idx.add.f32.msk $0xffff, v7  }
0xf5: {  	s0 =	sadd.s32 s2, s0;
	s16 =	sadd.s32 s7, s1;
	[tilespmem:v6+s28+$0x0] =	vst.idx.add.f32.msk $0xffff, v5;
	s15 =	rddreg [dreg:$0x13]  }
0xf6: {  	v7 =	vld [tilespmem:s0+$0x0];
	s0 =	sadd.s32 s9, s16;
	s17 =	sadd.s32 s12, s15  }
0xf7: {  	v5 =	vld [tilespmem:s0+$0x0];
	s31 =	sadd.s32 s10, s17  }
0xf8: {  	s0 =	sadd.s32 s11, s31;
	[tilespmem:v4+s28+$0x0] =	vst.idx.add.f32.msk $0xffff, v8  }
0xf9: {  	v8 =	vld [tilespmem:s0+$0x0];
	_ =	sdelay $0x1  }
0xfa: {  	[tilespmem:v2+s29+$0x0] =	vst.idx.add.f32.msk $0xffff, v10  }
0xfb: {  	[tilespmem:v3+s29+$0x0] =	vst.idx.add.f32.msk $0xffff, v7  }
0xfc: {  	[tilespmem:v6+s29+$0x0] =	vst.idx.add.f32.msk $0xffff, v5  }
0xfd: {  	[tilespmem:v4+s29+$0x0] =	vst.idx.add.f32.msk $0xffff, v8  }
0xfe: {  	s0 =	rddreg [dreg:$0x1f]  }
0xff: {  	p0 =	seq.s32 s0, $0x40  }
.Ltmp3:
0x100: {  	_ = 	snop;
	(pc) =	sbr.rel @!p0 .LBB2_7-.Ltmp3, $1  }
0x101: {  	_ =	sdelay $0x3  }
0x102: {  	s0 =	simm.s32 $0x0  }
0x103: {  	v2 =	vld [tilespmem:s0+$0x1D000];
	_ =	sdelay $0x4  }
0x104: {  	s2 =	simm.s32 $0x10;
	v3 =	vmax.f32 v2, $1.000000000e+00  }
0x105: {  	v2 =	vld [tilespmem:s2+$0x1D000];
	(erf) = vrcp.f32 v3;
	_ =	sdelay $0x3  }
0x106: {  	s1 =	simm.s32 $0x40;
	s4 =	simm.s32 $0x80;
	s3 =	simm.s32 $0x0  }
.LBB2_11:
0x107: {  	s5 =	sshra.s32 s4, $0x2;
	p0 =	sne.s32 s4, $0xFC0;
	s4 =	sadd.s32 $0x40, s4;
	v3 =	vmax.f32 v2, $1.000000000e+00  }
.Ltmp4:
0x108: {  	v2 =	vld [tilespmem:s5+$0x1D000];
	(erf) = vrcp.f32 v3;
	(pc) =	sbr.rel @p0 .LBB2_11-.Ltmp4, $3  }
0x109: {  	_ =	sdelay $0x1  }
0x10a: {  	v3 =	vpop (erf)  }
0x10b: {  	[tilespmem:s3+$0x1D400] =	vst v3;
	s3 =	smov.u32 s2;
	s2 =	smov.u32 s5  }
0x10c: {  	v2 =	vmax.f32 v2, $1.000000000e+00  }
0x10d: {  	(erf) = vrcp.f32 v2;
	_ =	sdelay $0x7  }
0x10e: {  	v2 =	vpop (erf)  }
0x10f: {  	[tilespmem:s3+$0x1D400] =	vst v2;
	v2 =	vpop (erf)  }
0x110: {  	[tilespmem:s2+$0x1D400] =	vst v2  }
0x111: {  	v2 =	vld [tilespmem:s0+$0x1D400]  }
0x112: {  	v3 =	vld [tilespmem:s0+$0x1A000]  }
0x113: {  	v5 =	vld [tilespmem:s0+$0x1A400]  }
0x114: {  	v6 =	vld [tilespmem:s0+$0x1A800]  }
0x115: {  	v7 =	vld [tilespmem:s0+$0x1AC00]  }
0x116: {  	v8 =	vld [tilespmem:s0+$0x1B000]  }
0x117: {  	v10 =	vld [tilespmem:s0+$0x1B400];
	v3 =	vmul.f32 v3, v2  }
0x118: {  	v4 =	vld [tilespmem:s0+$0x1B800];
	v5 =	vmul.f32 v5, v2  }
0x119: {  	v6 =	vmul.f32 v6, v2;
	[tilespmem:s0+$0x1A000] =	vst v3;
	v3 =	vld [tilespmem:s0+$0x1BC00]  }
0x11a: {  	v7 =	vmul.f32 v7, v2;
	[tilespmem:s0+$0x1A400] =	vst v5;
	v5 =	vld [tilespmem:s0+$0x1C000]  }
0x11b: {  	v9 =	vmul.f32 v8, v2;
	[tilespmem:s0+$0x1A800] =	vst v6;
	v6 =	vld [tilespmem:s0+$0x1C400]  }
0x11c: {  	v8 =	vmul.f32 v10, v2;
	[tilespmem:s0+$0x1AC00] =	vst v7;
	v7 =	vld [tilespmem:s0+$0x1C800]  }
.LBB2_13:
0x11d: {  	s2 =	sshra.s32 s1, $0x2;
	p0 =	sne.s32 s1, $0xFC0;
	[tilespmem:s0+$0x1B000] =	vst v9;
	v4 =	vmul.f32 v4, v2;
	v9 =	vld [tilespmem:s0+$0x1CC00]  }
0x11e: {  	v10 =	vld [tilespmem:s2+$0x1D400];
	[tilespmem:s0+$0x1B400] =	vst v8;
	v3 =	vmul.f32 v3, v2  }
0x11f: {  	v8 =	vld [tilespmem:s2+$0x1A000];
	[tilespmem:s0+$0x1B800] =	vst v4;
	v4 =	vmul.f32 v5, v2  }
0x120: {  	v5 =	vld [tilespmem:s2+$0x1A400];
	[tilespmem:s0+$0x1BC00] =	vst v3;
	v3 =	vmul.f32 v6, v2  }
0x121: {  	v6 =	vld [tilespmem:s2+$0x1A800];
	[tilespmem:s0+$0x1C000] =	vst v4;
	v4 =	vmul.f32 v7, v2  }
0x122: {  	v7 =	vld [tilespmem:s2+$0x1AC00];
	[tilespmem:s0+$0x1C400] =	vst v3;
	v3 =	vmul.f32 v9, v2  }
0x123: {  	v9 =	vld [tilespmem:s2+$0x1B000];
	[tilespmem:s0+$0x1C800] =	vst v4;
	v2 =	vmov v10  }
0x124: {  	v8 =	vmul.f32 v8, v2;
	v10 =	vld [tilespmem:s2+$0x1B400];
	[tilespmem:s0+$0x1CC00] =	vst v3;
	s0 =	smov.u32 s2  }
.Ltmp5:
0x125: {  	v5 =	vmul.f32 v5, v2;
	v4 =	vld [tilespmem:s0+$0x1B800];
	(pc) =	sbr.rel @p0 .LBB2_13-.Ltmp5, $4  }
0x126: {  	[tilespmem:s0+$0x1A000] =	vst v8;
	v6 =	vmul.f32 v6, v2;
	v3 =	vld [tilespmem:s0+$0x1BC00]  }
0x127: {  	[tilespmem:s0+$0x1A400] =	vst v5;
	v7 =	vmul.f32 v7, v2;
	v5 =	vld [tilespmem:s0+$0x1C000]  }
0x128: {  	[tilespmem:s0+$0x1A800] =	vst v6;
	v9 =	vmul.f32 v9, v2;
	v6 =	vld [tilespmem:s0+$0x1C400]  }
0x129: {  	s1 =	sadd.s32 $0x40, s1;
	[tilespmem:s0+$0x1AC00] =	vst v7;
	v8 =	vmul.f32 v10, v2;
	v7 =	vld [tilespmem:s0+$0x1C800]  }
0x12a: {  	[tilespmem:s0+$0x1B000] =	vst v9;
	v4 =	vmul.f32 v4, v2;
	v57 =	vld [tilespmem:s0+$0x1CC00]  }
0x12b: {  	[tilespmem:s0+$0x1B400] =	vst v8;
	v3 =	vmul.f32 v3, v2  }
0x12c: {  	[tilespmem:s0+$0x1B800] =	vst v4;
	v58 =	vmul.f32 v5, v2  }
0x12d: {  	[tilespmem:s0+$0x1BC00] =	vst v3;
	v3 =	vmul.f32 v6, v2  }
0x12e: {  	[tilespmem:s0+$0x1C000] =	vst v58;
	v59 =	vmul.f32 v7, v2  }
0x12f: {  	[tilespmem:s0+$0x1C400] =	vst v3;
	v2 =	vmul.f32 v57, v2  }
0x130: {  	s10 =	simm.s32 $0x0;
	[tilespmem:s0+$0x1C800] =	vst v59  }
0x131: {  	s1 =	rddreg [dreg:$0x19];
	s2 =	simm.s32 $0x1D800;
	s11 =	simm.s32 $0x3;
	[tilespmem:s0+$0x1CC00] =	vst v2  }
0x132: {  	[tilespmem:s2], [sflag:$0x3] =	stream.linear.gather [hbm4b:s1+s10], $0x80, $0x38;
	[tilespmem:$0x1DF00] =	vst v63  }
0x133: {  	_ =	swait.ge [sflag:s11], $0x80  }
0x134: {  	[sflag:s11] =	ssyncset.done $0x0  }
0x135: {  	s3 =	simm.s32 $0x1D880;
	s12 =	rddreg [dreg:$0x1a];
	[sflag:s11] =	ssyncadd.s32 $0xFFFFFF80  }
0x136: {  	[tilespmem:s3], [sflag:$0x3] =	stream.linear.gather [hbm4b:s12+s10], $0x80, $0x38;
	[tilespmem:$0x1DF00] =	vst v63  }
0x137: {  	_ =	swait.ge [sflag:s11], $0x80  }
0x138: {  	[sflag:s11] =	ssyncset.done $0x0  }
0x139: {  	[sflag:s11] =	ssyncadd.s32 $0xFFFFFF80  }
0x13a: {  	v2 =	vld [tilespmem:$0x1D800];
	_ =	sdelay $0x5  }
0x13b: {  	v3 =	vld [tilespmem:$0x1D880];
	_ =	sdelay $0x1  }
0x13c: {  	v60 =	vld.idx.msk [tilespmem:v2+s30+$0x0], $0xffff;
	_ =	sdelay $0x4  }
0x13d: {  	[tilespmem:$0x1D900] =	vst v60  }
0x13e: {  	v4 =	vld.idx.msk [tilespmem:v3+s30+$0x0], $0xffff;
	_ =	sdelay $0x4  }
0x13f: {  	[tilespmem:$0x1DC00] =	vst v4  }
0x140: {  	v4 =	vld.idx.msk [tilespmem:v2+s18+$0x0], $0xffff;
	_ =	sdelay $0x4  }
0x141: {  	[tilespmem:$0x1D940] =	vst v4  }
0x142: {  	v4 =	vld.idx.msk [tilespmem:v3+s18+$0x0], $0xffff;
	_ =	sdelay $0x4  }
0x143: {  	[tilespmem:$0x1DC40] =	vst v4  }
0x144: {  	v4 =	vld.idx.msk [tilespmem:v2+s19+$0x0], $0xffff;
	_ =	sdelay $0x4  }
0x145: {  	[tilespmem:$0x1D980] =	vst v4  }
0x146: {  	v4 =	vld.idx.msk [tilespmem:v3+s19+$0x0], $0xffff;
	_ =	sdelay $0x4  }
0x147: {  	[tilespmem:$0x1DC80] =	vst v4  }
0x148: {  	v4 =	vld.idx.msk [tilespmem:v2+s20+$0x0], $0xffff;
	_ =	sdelay $0x4  }
0x149: {  	[tilespmem:$0x1D9C0] =	vst v4  }
0x14a: {  	v4 =	vld.idx.msk [tilespmem:v3+s20+$0x0], $0xffff;
	_ =	sdelay $0x4  }
0x14b: {  	[tilespmem:$0x1DCC0] =	vst v4  }
0x14c: {  	v4 =	vld.idx.msk [tilespmem:v2+s21+$0x0], $0xffff;
	_ =	sdelay $0x4  }
0x14d: {  	[tilespmem:$0x1DA00] =	vst v4  }
0x14e: {  	v4 =	vld.idx.msk [tilespmem:v3+s21+$0x0], $0xffff;
	_ =	sdelay $0x4  }
0x14f: {  	[tilespmem:$0x1DD00] =	vst v4  }
0x150: {  	v4 =	vld.idx.msk [tilespmem:v2+s22+$0x0], $0xffff;
	_ =	sdelay $0x4  }
0x151: {  	[tilespmem:$0x1DA40] =	vst v4  }
0x152: {  	v4 =	vld.idx.msk [tilespmem:v3+s22+$0x0], $0xffff;
	_ =	sdelay $0x4  }
0x153: {  	[tilespmem:$0x1DD40] =	vst v4  }
0x154: {  	v4 =	vld.idx.msk [tilespmem:v2+s23+$0x0], $0xffff;
	_ =	sdelay $0x4  }
0x155: {  	[tilespmem:$0x1DA80] =	vst v4  }
0x156: {  	v4 =	vld.idx.msk [tilespmem:v3+s23+$0x0], $0xffff;
	_ =	sdelay $0x4  }
0x157: {  	[tilespmem:$0x1DD80] =	vst v4  }
0x158: {  	v4 =	vld.idx.msk [tilespmem:v2+s24+$0x0], $0xffff;
	_ =	sdelay $0x4  }
0x159: {  	[tilespmem:$0x1DAC0] =	vst v4  }
0x15a: {  	v4 =	vld.idx.msk [tilespmem:v3+s24+$0x0], $0xffff;
	_ =	sdelay $0x4  }
0x15b: {  	[tilespmem:$0x1DDC0] =	vst v4  }
0x15c: {  	v4 =	vld.idx.msk [tilespmem:v2+s25+$0x0], $0xffff;
	_ =	sdelay $0x4  }
0x15d: {  	[tilespmem:$0x1DB00] =	vst v4  }
0x15e: {  	v4 =	vld.idx.msk [tilespmem:v3+s25+$0x0], $0xffff;
	_ =	sdelay $0x4  }
0x15f: {  	[tilespmem:$0x1DE00] =	vst v4  }
0x160: {  	v4 =	vld.idx.msk [tilespmem:v2+s26+$0x0], $0xffff;
	_ =	sdelay $0x4  }
0x161: {  	[tilespmem:$0x1DB40] =	vst v4  }
0x162: {  	v4 =	vld.idx.msk [tilespmem:v3+s26+$0x0], $0xffff;
	_ =	sdelay $0x4  }
0x163: {  	[tilespmem:$0x1DE40] =	vst v4  }
0x164: {  	v4 =	vld.idx.msk [tilespmem:v2+s28+$0x0], $0xffff;
	_ =	sdelay $0x4  }
0x165: {  	[tilespmem:$0x1DB80] =	vst v4  }
0x166: {  	v4 =	vld.idx.msk [tilespmem:v3+s28+$0x0], $0xffff;
	_ =	sdelay $0x4  }
0x167: {  	[tilespmem:$0x1DE80] =	vst v4  }
0x168: {  	v2 =	vld.idx.msk [tilespmem:v2+s29+$0x0], $0xffff;
	_ =	sdelay $0x3  }
0x169: {  	v61 =	vld [tilespmem:$0x1D810]  }
0x16a: {  	[tilespmem:$0x1DBC0] =	vst v2  }
0x16b: {  	v2 =	vld.idx.msk [tilespmem:v3+s29+$0x0], $0xffff;
	_ =	sdelay $0x3  }
0x16c: {  	v3 =	vld [tilespmem:$0x1D890]  }
0x16d: {  	[tilespmem:$0x1DEC0] =	vst v2  }
0x16e: {  	v2 =	vld.idx.msk [tilespmem:v61+s30+$0x0], $0xffff;
	_ =	sdelay $0x4  }
0x16f: {  	[tilespmem:$0x1D910] =	vst v2  }
0x170: {  	v2 =	vld.idx.msk [tilespmem:v3+s30+$0x0], $0xffff;
	_ =	sdelay $0x4  }
0x171: {  	[tilespmem:$0x1DC10] =	vst v2  }
0x172: {  	v2 =	vld.idx.msk [tilespmem:v61+s18+$0x0], $0xffff;
	_ =	sdelay $0x4  }
0x173: {  	[tilespmem:$0x1D950] =	vst v2  }
0x174: {  	v2 =	vld.idx.msk [tilespmem:v3+s18+$0x0], $0xffff;
	_ =	sdelay $0x4  }
0x175: {  	[tilespmem:$0x1DC50] =	vst v2  }
0x176: {  	v2 =	vld.idx.msk [tilespmem:v61+s19+$0x0], $0xffff;
	_ =	sdelay $0x4  }
0x177: {  	[tilespmem:$0x1D990] =	vst v2  }
0x178: {  	v2 =	vld.idx.msk [tilespmem:v3+s19+$0x0], $0xffff;
	_ =	sdelay $0x4  }
0x179: {  	[tilespmem:$0x1DC90] =	vst v2  }
0x17a: {  	v2 =	vld.idx.msk [tilespmem:v61+s20+$0x0], $0xffff;
	_ =	sdelay $0x4  }
0x17b: {  	[tilespmem:$0x1D9D0] =	vst v2  }
0x17c: {  	v2 =	vld.idx.msk [tilespmem:v3+s20+$0x0], $0xffff;
	_ =	sdelay $0x4  }
0x17d: {  	[tilespmem:$0x1DCD0] =	vst v2  }
0x17e: {  	v2 =	vld.idx.msk [tilespmem:v61+s21+$0x0], $0xffff;
	_ =	sdelay $0x4  }
0x17f: {  	[tilespmem:$0x1DA10] =	vst v2  }
0x180: {  	v2 =	vld.idx.msk [tilespmem:v3+s21+$0x0], $0xffff;
	_ =	sdelay $0x4  }
0x181: {  	[tilespmem:$0x1DD10] =	vst v2  }
0x182: {  	v2 =	vld.idx.msk [tilespmem:v61+s22+$0x0], $0xffff;
	_ =	sdelay $0x4  }
0x183: {  	[tilespmem:$0x1DA50] =	vst v2  }
0x184: {  	v2 =	vld.idx.msk [tilespmem:v3+s22+$0x0], $0xffff;
	_ =	sdelay $0x4  }
0x185: {  	[tilespmem:$0x1DD50] =	vst v2  }
0x186: {  	v2 =	vld.idx.msk [tilespmem:v61+s23+$0x0], $0xffff;
	_ =	sdelay $0x4  }
0x187: {  	[tilespmem:$0x1DA90] =	vst v2  }
0x188: {  	v2 =	vld.idx.msk [tilespmem:v3+s23+$0x0], $0xffff;
	_ =	sdelay $0x4  }
0x189: {  	[tilespmem:$0x1DD90] =	vst v2  }
0x18a: {  	v2 =	vld.idx.msk [tilespmem:v61+s24+$0x0], $0xffff;
	_ =	sdelay $0x4  }
0x18b: {  	[tilespmem:$0x1DAD0] =	vst v2  }
0x18c: {  	v2 =	vld.idx.msk [tilespmem:v3+s24+$0x0], $0xffff;
	_ =	sdelay $0x4  }
0x18d: {  	[tilespmem:$0x1DDD0] =	vst v2  }
0x18e: {  	v2 =	vld.idx.msk [tilespmem:v61+s25+$0x0], $0xffff;
	_ =	sdelay $0x4  }
0x18f: {  	[tilespmem:$0x1DB10] =	vst v2  }
0x190: {  	v2 =	vld.idx.msk [tilespmem:v3+s25+$0x0], $0xffff;
	_ =	sdelay $0x4  }
0x191: {  	[tilespmem:$0x1DE10] =	vst v2  }
0x192: {  	v2 =	vld.idx.msk [tilespmem:v61+s26+$0x0], $0xffff;
	_ =	sdelay $0x4  }
0x193: {  	[tilespmem:$0x1DB50] =	vst v2  }
0x194: {  	v2 =	vld.idx.msk [tilespmem:v3+s26+$0x0], $0xffff;
	_ =	sdelay $0x4  }
0x195: {  	[tilespmem:$0x1DE50] =	vst v2  }
0x196: {  	v2 =	vld.idx.msk [tilespmem:v61+s28+$0x0], $0xffff;
	_ =	sdelay $0x4  }
0x197: {  	[tilespmem:$0x1DB90] =	vst v2  }
0x198: {  	v2 =	vld.idx.msk [tilespmem:v3+s28+$0x0], $0xffff;
	_ =	sdelay $0x4  }
0x199: {  	[tilespmem:$0x1DE90] =	vst v2  }
0x19a: {  	v2 =	vld.idx.msk [tilespmem:v61+s29+$0x0], $0xffff;
	_ =	sdelay $0x3  }
0x19b: {  	v62 =	vld [tilespmem:$0x1D820]  }
0x19c: {  	[tilespmem:$0x1DBD0] =	vst v2  }
0x19d: {  	v2 =	vld.idx.msk [tilespmem:v3+s29+$0x0], $0xffff;
	_ =	sdelay $0x3  }
0x19e: {  	v3 =	vld [tilespmem:$0x1D8A0]  }
0x19f: {  	[tilespmem:$0x1DED0] =	vst v2  }
0x1a0: {  	v2 =	vld.idx.msk [tilespmem:v62+s30+$0x0], $0xffff;
	_ =	sdelay $0x4  }
0x1a1: {  	[tilespmem:$0x1D920] =	vst v2  }
0x1a2: {  	v2 =	vld.idx.msk [tilespmem:v3+s30+$0x0], $0xffff;
	_ =	sdelay $0x4  }
0x1a3: {  	[tilespmem:$0x1DC20] =	vst v2  }
0x1a4: {  	v2 =	vld.idx.msk [tilespmem:v62+s18+$0x0], $0xffff;
	_ =	sdelay $0x4  }
0x1a5: {  	[tilespmem:$0x1D960] =	vst v2  }
0x1a6: {  	v2 =	vld.idx.msk [tilespmem:v3+s18+$0x0], $0xffff;
	_ =	sdelay $0x4  }
0x1a7: {  	[tilespmem:$0x1DC60] =	vst v2  }
0x1a8: {  	v2 =	vld.idx.msk [tilespmem:v62+s19+$0x0], $0xffff;
	_ =	sdelay $0x4  }
0x1a9: {  	[tilespmem:$0x1D9A0] =	vst v2  }
0x1aa: {  	v2 =	vld.idx.msk [tilespmem:v3+s19+$0x0], $0xffff;
	_ =	sdelay $0x4  }
0x1ab: {  	[tilespmem:$0x1DCA0] =	vst v2  }
0x1ac: {  	v2 =	vld.idx.msk [tilespmem:v62+s20+$0x0], $0xffff;
	_ =	sdelay $0x4  }
0x1ad: {  	[tilespmem:$0x1D9E0] =	vst v2  }
0x1ae: {  	v2 =	vld.idx.msk [tilespmem:v3+s20+$0x0], $0xffff;
	_ =	sdelay $0x4  }
0x1af: {  	[tilespmem:$0x1DCE0] =	vst v2  }
0x1b0: {  	v2 =	vld.idx.msk [tilespmem:v62+s21+$0x0], $0xffff;
	_ =	sdelay $0x4  }
0x1b1: {  	[tilespmem:$0x1DA20] =	vst v2  }
0x1b2: {  	v2 =	vld.idx.msk [tilespmem:v3+s21+$0x0], $0xffff;
	_ =	sdelay $0x4  }
0x1b3: {  	[tilespmem:$0x1DD20] =	vst v2  }
0x1b4: {  	v2 =	vld.idx.msk [tilespmem:v62+s22+$0x0], $0xffff;
	_ =	sdelay $0x4  }
0x1b5: {  	[tilespmem:$0x1DA60] =	vst v2  }
0x1b6: {  	v2 =	vld.idx.msk [tilespmem:v3+s22+$0x0], $0xffff;
	_ =	sdelay $0x4  }
0x1b7: {  	[tilespmem:$0x1DD60] =	vst v2  }
0x1b8: {  	v2 =	vld.idx.msk [tilespmem:v62+s23+$0x0], $0xffff;
	_ =	sdelay $0x4  }
0x1b9: {  	[tilespmem:$0x1DAA0] =	vst v2  }
0x1ba: {  	v2 =	vld.idx.msk [tilespmem:v3+s23+$0x0], $0xffff;
	_ =	sdelay $0x4  }
0x1bb: {  	[tilespmem:$0x1DDA0] =	vst v2  }
0x1bc: {  	v2 =	vld.idx.msk [tilespmem:v62+s24+$0x0], $0xffff;
	_ =	sdelay $0x4  }
0x1bd: {  	[tilespmem:$0x1DAE0] =	vst v2  }
0x1be: {  	v2 =	vld.idx.msk [tilespmem:v3+s24+$0x0], $0xffff;
	_ =	sdelay $0x4  }
0x1bf: {  	[tilespmem:$0x1DDE0] =	vst v2  }
0x1c0: {  	v2 =	vld.idx.msk [tilespmem:v62+s25+$0x0], $0xffff;
	_ =	sdelay $0x4  }
0x1c1: {  	[tilespmem:$0x1DB20] =	vst v2  }
0x1c2: {  	v2 =	vld.idx.msk [tilespmem:v3+s25+$0x0], $0xffff;
	_ =	sdelay $0x4  }
0x1c3: {  	[tilespmem:$0x1DE20] =	vst v2  }
0x1c4: {  	v2 =	vld.idx.msk [tilespmem:v62+s26+$0x0], $0xffff;
	_ =	sdelay $0x4  }
0x1c5: {  	[tilespmem:$0x1DB60] =	vst v2  }
0x1c6: {  	v2 =	vld.idx.msk [tilespmem:v3+s26+$0x0], $0xffff;
	_ =	sdelay $0x4  }
0x1c7: {  	[tilespmem:$0x1DE60] =	vst v2  }
0x1c8: {  	v2 =	vld.idx.msk [tilespmem:v62+s28+$0x0], $0xffff;
	_ =	sdelay $0x4  }
0x1c9: {  	[tilespmem:$0x1DBA0] =	vst v2  }
0x1ca: {  	v2 =	vld.idx.msk [tilespmem:v3+s28+$0x0], $0xffff;
	_ =	sdelay $0x4  }
0x1cb: {  	[tilespmem:$0x1DEA0] =	vst v2  }
0x1cc: {  	v2 =	vld.idx.msk [tilespmem:v62+s29+$0x0], $0xffff;
	_ =	sdelay $0x3  }
0x1cd: {  	v63 =	vld [tilespmem:$0x1D830]  }
0x1ce: {  	[tilespmem:$0x1DBE0] =	vst v2  }
0x1cf: {  	v2 =	vld.idx.msk [tilespmem:v3+s29+$0x0], $0xffff;
	_ =	sdelay $0x3  }
0x1d0: {  	v3 =	vld [tilespmem:$0x1D8B0]  }
0x1d1: {  	[tilespmem:$0x1DEE0] =	vst v2  }
0x1d2: {  	v2 =	vld.idx.msk [tilespmem:v63+s30+$0x0], $0xffff;
	_ =	sdelay $0x4  }
0x1d3: {  	[tilespmem:$0x1D930] =	vst v2  }
0x1d4: {  	v2 =	vld.idx.msk [tilespmem:v3+s30+$0x0], $0xffff;
	_ =	sdelay $0x4  }
0x1d5: {  	[tilespmem:$0x1DC30] =	vst v2  }
0x1d6: {  	v2 =	vld.idx.msk [tilespmem:v63+s18+$0x0], $0xffff;
	_ =	sdelay $0x4  }
0x1d7: {  	[tilespmem:$0x1D970] =	vst v2  }
0x1d8: {  	v2 =	vld.idx.msk [tilespmem:v3+s18+$0x0], $0xffff;
	_ =	sdelay $0x4  }
0x1d9: {  	[tilespmem:$0x1DC70] =	vst v2  }
0x1da: {  	v2 =	vld.idx.msk [tilespmem:v63+s19+$0x0], $0xffff;
	_ =	sdelay $0x4  }
0x1db: {  	[tilespmem:$0x1D9B0] =	vst v2  }
0x1dc: {  	v2 =	vld.idx.msk [tilespmem:v3+s19+$0x0], $0xffff;
	_ =	sdelay $0x4  }
0x1dd: {  	[tilespmem:$0x1DCB0] =	vst v2  }
0x1de: {  	v2 =	vld.idx.msk [tilespmem:v63+s20+$0x0], $0xffff;
	_ =	sdelay $0x4  }
0x1df: {  	[tilespmem:$0x1D9F0] =	vst v2  }
0x1e0: {  	v2 =	vld.idx.msk [tilespmem:v3+s20+$0x0], $0xffff;
	_ =	sdelay $0x4  }
0x1e1: {  	[tilespmem:$0x1DCF0] =	vst v2  }
0x1e2: {  	v2 =	vld.idx.msk [tilespmem:v63+s21+$0x0], $0xffff;
	_ =	sdelay $0x4  }
0x1e3: {  	[tilespmem:$0x1DA30] =	vst v2  }
0x1e4: {  	v2 =	vld.idx.msk [tilespmem:v3+s21+$0x0], $0xffff;
	_ =	sdelay $0x4  }
0x1e5: {  	[tilespmem:$0x1DD30] =	vst v2  }
0x1e6: {  	v2 =	vld.idx.msk [tilespmem:v63+s22+$0x0], $0xffff;
	_ =	sdelay $0x4  }
0x1e7: {  	[tilespmem:$0x1DA70] =	vst v2  }
0x1e8: {  	v2 =	vld.idx.msk [tilespmem:v3+s22+$0x0], $0xffff;
	_ =	sdelay $0x4  }
0x1e9: {  	[tilespmem:$0x1DD70] =	vst v2  }
0x1ea: {  	v2 =	vld.idx.msk [tilespmem:v63+s23+$0x0], $0xffff;
	_ =	sdelay $0x4  }
0x1eb: {  	[tilespmem:$0x1DAB0] =	vst v2  }
0x1ec: {  	v2 =	vld.idx.msk [tilespmem:v3+s23+$0x0], $0xffff;
	_ =	sdelay $0x4  }
0x1ed: {  	[tilespmem:$0x1DDB0] =	vst v2  }
0x1ee: {  	v2 =	vld.idx.msk [tilespmem:v63+s24+$0x0], $0xffff;
	_ =	sdelay $0x4  }
0x1ef: {  	[tilespmem:$0x1DAF0] =	vst v2  }
0x1f0: {  	v2 =	vld.idx.msk [tilespmem:v3+s24+$0x0], $0xffff;
	_ =	sdelay $0x4  }
0x1f1: {  	[tilespmem:$0x1DDF0] =	vst v2  }
0x1f2: {  	v2 =	vld.idx.msk [tilespmem:v63+s25+$0x0], $0xffff;
	_ =	sdelay $0x4  }
0x1f3: {  	[tilespmem:$0x1DB30] =	vst v2  }
0x1f4: {  	v2 =	vld.idx.msk [tilespmem:v3+s25+$0x0], $0xffff;
	_ =	sdelay $0x4  }
0x1f5: {  	[tilespmem:$0x1DE30] =	vst v2  }
0x1f6: {  	v2 =	vld.idx.msk [tilespmem:v63+s26+$0x0], $0xffff;
	_ =	sdelay $0x4  }
0x1f7: {  	[tilespmem:$0x1DB70] =	vst v2  }
0x1f8: {  	v2 =	vld.idx.msk [tilespmem:v3+s26+$0x0], $0xffff;
	_ =	sdelay $0x4  }
0x1f9: {  	[tilespmem:$0x1DE70] =	vst v2  }
0x1fa: {  	v2 =	vld.idx.msk [tilespmem:v63+s28+$0x0], $0xffff;
	_ =	sdelay $0x4  }
0x1fb: {  	[tilespmem:$0x1DBB0] =	vst v2  }
0x1fc: {  	v2 =	vld.idx.msk [tilespmem:v3+s28+$0x0], $0xffff;
	_ =	sdelay $0x4  }
0x1fd: {  	[tilespmem:$0x1DEB0] =	vst v2  }
0x1fe: {  	v2 =	vld.idx.msk [tilespmem:v63+s29+$0x0], $0xffff;
	_ =	sdelay $0x4  }
0x1ff: {  	[tilespmem:$0x1DBF0] =	vst v2  }
0x200: {  	v2 =	vld.idx.msk [tilespmem:v3+s29+$0x0], $0xffff;
	_ =	sdelay $0x4  }
0x201: {  	s14 =	simm.s32 $0x1D900;
	s13 =	rddreg [dreg:$0x1b];
	[tilespmem:$0x1DEF0] =	vst v2  }
0x202: {  	[hbm4b:s13+s10] =	stream.linear.scatter [tilespmem:s14], [sflag:$0x3], $0x300, $0x38;
	[tilespmem:$0x1DF00] =	vst v63  }
0x203: {  	_ =	swait.ge [sflag:s11], $0x300  }
0x204: {  	[sflag:s11] =	ssyncset.done $0x0  }
0x205: {  	s16 =	simm.s32 $0x1DC00;
	s15 =	rddreg [dreg:$0x1c];
	[sflag:s11] =	ssyncadd.s32 $0xFFFFFD00  }
0x206: {  	[hbm4b:s15+s10] =	stream.linear.scatter [tilespmem:s16], [sflag:$0x3], $0x300, $0x38;
	[tilespmem:$0x1DF00] =	vst v63  }
0x207: {  	_ =	swait.ge [sflag:s11], $0x300  }
0x208: {  	s17 =	rddreg [dreg:$0x1e]  }
0x209: {  	s31 =	rddreg [dreg:$0x1d];
	s1 =	sadd.s32 $0x1, s17  }
0x20a: {  	p0 =	sne.s32 s1, s31  }
.Ltmp6:
0x20b: {  	_ = 	snop;
	(pc) =	sbr.rel @p0 .LBB2_1-.Ltmp6, $3  }
0x20c: {  	_ =	sdelay $0x1  }
0x20d: {  	[sflag:s11] =	ssyncset.done $0x0  }
0x20e: {  	[sflag:s11] =	ssyncadd.s32 $0xFFFFFD00  }
0x20f: {  	_ =	sfence.sel $0x180000  }
0x210: {  	[bflag:$0x0] =	sbarrier.arrive $0xFFFF  }
0x211: {  	_ =	strace $0x90000047  }
0x212: {  	s0 =	stileid.u32;
	[bflag:$0x2] =	sbarrier.arrive $0xFFFF  }
0x213: {  	p0 =	sne.s32 s0, $0x0;
	s0 =	rddreg [dreg:$0x6]  }
0x214: {  	s0 =	sadd.s32 @!p0 $0x100000, s0  }
0x215: {  	[sflag:s0] =	ssyncadd.tile.s32 @!p0 $0x1;
	_ =	shalt  }
.Lfunc_end2:
_tile_overlayer_lowered:
.L_overlay_start_2:
0x216: {  	(tag) =	ssettag $0x2  }
0x217: {  	s0 =	rddreg [dreg:$0x0];
	s2 =	stileid.u32  }
0x218: {  	s1 =	rddreg [dreg:$0x1];
	p0 =	sne.s32 s2, $0x0  }
0x219: {  	s3 =	rddreg [dreg:$0x2];
	[bflag:$0x3] =	sbarrier.arrive $0xFFFF;
	s2 =	simm.s32 @!p0 $0x1C03  }
0x21a: {  	[timem:s3], [sflag:s2] =	dma.local @!p0 [hbm:s0], s1  }
0x21b: {  	s0 =	simm.s32 @!p0 $0x3  }
0x21c: {  	_ =	swait.ge @!p0 [sflag:s0], s1  }
0x21d: {  	s1 =	ssub.s32 @!p0 $0x0, s1;
	[sflag:s0] =	ssyncset.done @!p0 $0x0  }
0x21e: {  	[sflag:s0] =	ssyncadd.s32 @!p0 s1  }
0x21f: {  	[bflag:$0x3] =	sbarrier.arrive $0xFFFF  }
0x220: {  	_ =	shalt  }

</sc_bundles>
